<compile_context>
chip_gen: v7x
topology: tpu7x:2x2x1
jax: 0.10.2.dev20260603
libtpu: 0.0.44.dev20260713+nightly
codegen_flags: <defaults>
</compile_context>

<pallas_src>
import jax
import jax.numpy as jnp
from jax import lax
from jax.experimental import pallas as pl
from jax.experimental.pallas import tpu as pltpu
from jax.experimental.pallas import tpu_sc as plsc

_EPW = 1408
_CHUNK = 128
_NCH = _EPW // _CHUNK


def _sc_gather_body(table_hbm, addr_hbm, out_hbm, addr_v, outv, sem):
    wid = lax.axis_index("s") * 2 + lax.axis_index("c")
    base = wid * _EPW
    pltpu.sync_copy(addr_hbm.at[pl.ds(base, _EPW)], addr_v)
    cps = [
        pltpu.async_copy(
            table_hbm.at[addr_v.at[pl.ds(ck * _CHUNK, _CHUNK)]],
            outv.at[pl.ds(ck * _CHUNK, _CHUNK)],
            sem,
        )
        for ck in range(_NCH)
    ]
    for cp in cps:
        cp.wait()
    pltpu.sync_copy(outv, out_hbm.at[pl.ds(base, _EPW)])


def _main_body(gsrc_ref, gbsel_ref, ngv_ref, f_ref, t_ref, wg_ref, aux_ref,
               out_ref, acc_ref, s0_ref, s1_ref, s2_ref):
    k = pl.program_id(0)
    f32 = jnp.float32

    @pl.when(k == 0)
    def _init():
        acc_ref[...] = jnp.zeros((24, 16384), f32)

    @pl.when(k < ngv_ref[0])
    def _compute():
        Wg = wg_ref[0]
        aux = aux_ref[0]
        xi3 = aux[:, 0:1]
        yi3 = aux[:, 1:2]
        vm3 = aux[:, 2:3]
        I8 = (lax.broadcasted_iota(jnp.int32, (8, 8), 0)
              == lax.broadcasted_iota(jnp.int32, (8, 8), 1)).astype(f32)
        for r in range(8):
            s0_ref[8 * r:8 * r + 8, 0:10] = Wg[:, 10 * r:10 * r + 10]
            s0_ref[8 * r:8 * r + 8, 10:11] = (
                Wg[:, 152 + r:153 + r]
                - (Wg[:, 10 * r + 8:10 * r + 9] * xi3
                   + Wg[:, 10 * r + 9:10 * r + 10] * yi3) * (1.0 / 128.0))
        s0_ref[64:65, :] = (
            lax.broadcasted_iota(jnp.int32, (1, 11), 1) == 10).astype(f32)
        for rp in range(8):
            for cc in range(8):
                s1_ref[8 * rp:8 * rp + 8, 8 * cc:8 * cc + 8] = (
                    Wg[:, 80 + 8 * rp + cc:81 + 8 * rp + cc] * I8)
            s1_ref[8 * rp:8 * rp + 8, 64:65] = Wg[:, 160 + rp:161 + rp]
        s1_ref[64:65, :] = (
            lax.broadcasted_iota(jnp.int32, (1, 65), 1) == 64).astype(f32)
        for cc in range(8):
            s2_ref[:, 8 * cc:8 * cc + 8] = Wg[:, 144 + cc:145 + cc] * I8
        s2_ref[:, 64:65] = jnp.where(vm3 > 0.5, Wg[:, 168:169], f32(-1e9))

        fa = f_ref[0]
        h0 = jnp.maximum(
            jnp.dot(s0_ref[...], fa, preferred_element_type=f32), 0.0)
        h1 = jnp.maximum(
            jnp.dot(s1_ref[...], h0, preferred_element_type=f32), 0.0)
        w2g = s2_ref[...]
        logit = jnp.dot(w2g, h1, preferred_element_type=f32)
        s = 0.5 * jnp.tanh(0.5 * logit) + 0.5
        t = t_ref[0]
        mask = (w2g[:, 64:65] > -1e8).astype(f32)
        acc_ref[0:8, :] += s * t
        acc_ref[8:16, :] += s * s
        acc_ref[16:24, :] += (t * mask) * t

    @pl.when(k == pl.num_programs(0) - 1)
    def _finish():
        inter = jnp.sum(acc_ref[0:8, :])
        ss = jnp.sum(acc_ref[8:16, :])
        tt = jnp.sum(acc_ref[16:24, :])
        loss = (1.0 - (2.0 * inter + 1.0) / (ss + tt + 1.0)) * 0.25
        out_ref[...] = jnp.full((1, 128), loss, f32)


def kernel(seg_feat, conv_weight, mask, ind, target, nums):
    n, c, h, w = seg_feat.shape
    m = target.shape[1]
    hw = h * w
    nm = n * m
    G = 8
    ng = nm // G
    gpb = m // G

    ind64 = ind[:, :m].astype(jnp.int32)
    indf = ind64.reshape(-1)

    binst = jnp.arange(nm, dtype=jnp.int32) // m
    chpad = jnp.minimum(jnp.arange(176, dtype=jnp.int32), 168)
    addr = (binst[:, None] * 169 + chpad[None, :]) * hw + indf[:, None]
    addrf = addr.reshape(-1).astype(jnp.int32)
    table = conv_weight.reshape(-1)

    mesh = plsc.VectorSubcoreMesh(core_axis_name="c", subcore_axis_name="s")
    sc_gather = pl.kernel(
        _sc_gather_body,
        mesh=mesh,
        out_type=jax.ShapeDtypeStruct((nm * 176,), jnp.float32),
        scratch_types=[
            pltpu.VMEM((_EPW,), jnp.int32),
            pltpu.VMEM((_EPW,), jnp.float32),
            pltpu.SemaphoreType.DMA,
        ],
    )
    wg = sc_gather(table, addrf).reshape(nm, 176)

    f32 = jnp.float32
    xi = (indf % w).astype(f32)
    yi = indf.astype(f32) / jnp.float32(w)
    valid = (jnp.arange(m)[None, :] < nums[:, None]).reshape(-1)
    z = jnp.zeros((nm,), f32)
    aux = jnp.stack([xi, yi, valid.astype(f32), z, z, z, z, z],
                    axis=1).reshape(ng, 8, 8)
    wg3 = wg.reshape(ng, 8, 176)

    jf = jnp.arange(hw, dtype=jnp.int32)
    xpl = (jf % w).astype(f32) * (1.0 / w)
    ypl = (jf // w).astype(f32) * (1.0 / w)
    segaug = jnp.concatenate([
        seg_feat.reshape(n, c, hw),
        jnp.broadcast_to(xpl[None, None, :], (n, 1, hw)),
        jnp.broadcast_to(ypl[None, None, :], (n, 1, hw)),
        jnp.ones((n, 1, hw), f32),
    ], axis=1)

    cnt = (nums.astype(jnp.int32) + (G - 1)) // G
    cs = jnp.cumsum(cnt).astype(jnp.int32)
    ngv = cs[-1]
    ks = jnp.arange(ng, dtype=jnp.int32)
    b_p = (ks[:, None] >= cs[None, :]).sum(1).astype(jnp.int32)
    base_p = ((b_p[:, None] > jnp.arange(n)[None, :]) * cnt[None, :]
              ).sum(1).astype(jnp.int32)
    gsrc = jnp.where(ks < ngv, b_p * gpb + (ks - base_p), 0).astype(jnp.int32)
    gbsel = jnp.where(ks < ngv, b_p, n - 1).astype(jnp.int32)

    tgt = target.reshape(ng, G, hw)

    grid_spec = pltpu.PrefetchScalarGridSpec(
        num_scalar_prefetch=3,
        grid=(ng,),
        in_specs=[
            pl.BlockSpec((1, 11, hw), lambda p, gs, gb, v: (gb[p], 0, 0)),
            pl.BlockSpec((1, G, hw), lambda p, gs, gb, v: (gs[p], 0, 0)),
            pl.BlockSpec((1, 8, 176), lambda p, gs, gb, v: (gs[p], 0, 0)),
            pl.BlockSpec((1, 8, 8), lambda p, gs, gb, v: (gs[p], 0, 0)),
        ],
        out_specs=pl.BlockSpec((1, 128), lambda p, gs, gb, v: (0, 0)),
        scratch_shapes=[pltpu.VMEM((24, hw), jnp.float32),
                        pltpu.VMEM((65, 11), jnp.float32),
                        pltpu.VMEM((65, 65), jnp.float32),
                        pltpu.VMEM((8, 65), jnp.float32)],
    )
    loss2d = pl.pallas_call(
        _main_body,
        grid_spec=grid_spec,
        out_shape=jax.ShapeDtypeStruct((1, 128), jnp.float32),
        interpret=False,
    )(gsrc, gbsel, ngv.reshape(1), segaug, tgt, wg3, aux)
    return loss2d[0, 0]

# --- scband reference (transcript-rebuilt; emitter-appended) ---
"""Pipeline reference for scband-fast-dice-loss-16200616640591 (READ-ONLY COPY).

The authoritative reference and input builder live on the scoring server;
editing this copy changes nothing except your own understanding.
"""

import jax, jax.numpy as jnp
import numpy as np

N_BATCH, MAX_OBJ, H, W = 4, 128, 128, 128
MAX_INST_PER_IMG = 64


def setup_inputs(seed: int = 0):
    key = jax.random.key(seed)
    k0, k1, k2, k3, k4, k5 = jax.random.split(key, 6)
    seg_feat = jax.random.normal(k0, (N_BATCH, 8, H, W), dtype=jnp.float32)
    conv_weight = jax.random.normal(k1, (N_BATCH, 169, H, W), dtype=jnp.float32)
    mask = jax.random.uniform(k2, (N_BATCH, MAX_OBJ), dtype=jnp.float32)
    ind = jax.random.randint(k3, (N_BATCH, MAX_OBJ), 0, H * W)
    target = jax.random.uniform(k4, (N_BATCH, MAX_INST_PER_IMG, H, W), dtype=jnp.float32)
    nums = jax.random.randint(k5, (N_BATCH,), 1, 48)
    return {"seg_feat": seg_feat, "conv_weight": conv_weight, "mask": mask, "ind": ind, "target": target, "nums": nums}


def _transpose_and_gather_feat(feat, ind):
    n, c, h, w = feat.shape
    f = jnp.transpose(feat, (0, 2, 3, 1)).reshape(n, h * w, c)
    return jnp.take_along_axis(f, ind[:, :, None], axis=1)


def _grouped_conv1x1(x, w, b, groups):
    out = jax.lax.conv_general_dilated(x, w, window_strides=(1, 1), padding='VALID', dimension_numbers=('NCHW', 'OIHW', 'NCHW'), feature_group_count=groups)
    return out + b[None, :, None, None]


def _forward(seg_feat, conv_weight, mask, ind, target, nums):
    batch_size = seg_feat.shape[0]
    h, w = seg_feat.shape[-2], seg_feat.shape[-1]
    m = target.shape[1]
    c_feat = seg_feat.shape[1]
    weight = _transpose_and_gather_feat(conv_weight, ind)
    x_idx = ind % w
    y_idx = ind / w
    x_range = jnp.arange(w, dtype=jnp.float32)
    y_range = jnp.arange(h, dtype=jnp.float32)
    y_grid, x_grid = jnp.meshgrid(y_range, x_range, indexing='ij')
    weight_new = weight[:, :m, :].reshape(batch_size * m, -1)
    y_rel = (y_grid[None, None] - y_idx[:, :m].astype(jnp.float32)[:, :, None, None]) / 128.0
    x_rel = (x_grid[None, None] - x_idx[:, :m].astype(jnp.float32)[:, :, None, None]) / 128.0
    f = jnp.broadcast_to(seg_feat[:, None], (batch_size, m, c_feat, h, w))
    feat_all = jnp.concatenate([f, x_rel[:, :, None], y_rel[:, :, None]], axis=2)
    feat_new = feat_all.reshape(1, batch_size * m * (c_feat + 2), h, w)
    n_inst = batch_size * m
    p = jnp.split(weight_new, [80, 144, 152, 160, 168], axis=1)
    w0 = p[0].reshape(n_inst * 8, 10, 1, 1); b0 = p[3].reshape(-1)
    w1 = p[1].reshape(n_inst * 8, 8, 1, 1); b1 = p[4].reshape(-1)
    w2 = p[2].reshape(n_inst, 8, 1, 1); b2 = p[5].reshape(-1)
    xm = jax.nn.relu(_grouped_conv1x1(feat_new, w0, b0, n_inst))
    xm = jax.nn.relu(_grouped_conv1x1(xm, w1, b1, n_inst))
    xm = _grouped_conv1x1(xm, w2, b2, n_inst)
    mask_scores = jax.nn.sigmoid(xm)[0]
    mask_gts = target.reshape(batch_size * m, h, w)
    valid = (jnp.arange(m)[None, :] < nums[:, None]).reshape(-1).astype(jnp.float32)
    iflat = mask_scores.astype(jnp.float32)
    tflat = mask_gts.astype(jnp.float32)
    smooth = 1.0
    intersection = jnp.sum(valid[:, None, None] * iflat * tflat)
    isum = jnp.sum(valid[:, None, None] * iflat * iflat)
    tsum = jnp.sum(valid[:, None, None] * tflat * tflat)
    loss = 1.0 - (2.0 * intersection + smooth) / (isum + tsum + smooth)
    return loss / batch_size


def reference(seg_feat, conv_weight, mask, ind, target, nums):
    return _forward(seg_feat, conv_weight, mask, ind, target, nums)

if __name__ == "__main__":
    import jax
    _d = setup_inputs()
    print(jax.jit(kernel)(*tuple(_d.values())))

</pallas_src>

<mosaic_0001>
#map = affine_map<(d0, d1) -> (0)>
module attributes {stable_mosaic.version = 14 : i64} {
  func.func @_sc_gather_body(%arg0: i32, %arg1: i32, %arg2: memref<11075584xf32, #tpu.memory_space<hbm>>, %arg3: memref<45056xi32, #tpu.memory_space<hbm>>, %arg4: memref<45056xf32, #tpu.memory_space<hbm>>, %arg5: memref<1408xi32, #tpu.memory_space<vmem>>, %arg6: memref<1408xf32, #tpu.memory_space<vmem>>, %arg7: memref<!tpu.dma_semaphore, #tpu.memory_space<semaphore_mem>>) attributes {dimension_semantics = [#tpu.dimension_semantics<core_parallel>, #tpu.dimension_semantics<subcore_parallel>], iteration_bounds = array<i64: 2, 16>, scalar_prefetch = 0 : i64, scratch_operands = 3 : i64, tpu.core_type = #tpu.core_type<sc_vector_subcore>, window_params = [{transform_indices = #map}, {transform_indices = #map}, {transform_indices = #map}]} {
    %mul3A = arith.constant 2 : i32
    %mul3A_0 = arith.muli %arg1, %mul3A : i32
    %add3A = arith.addi %mul3A_0, %arg0 : i32
    %mul3A_1 = arith.constant 1408 : i32
    %mul3A_2 = arith.muli %add3A, %mul3A_1 : i32
    "tpu.region"() ({
      %run_scoped3A = tpu.sem_alloc : memref<!tpu.dma_semaphore, #tpu.memory_space<semaphore_mem>>
      %dma_start3A_133 = tpu.memref_slice %arg3[%mul3A_2] : memref<45056xi32, #tpu.memory_space<hbm>> -> memref<1408xi32, #tpu.memory_space<hbm>>
      %dma_start3A_134 = tpu.memref_slice %arg3[%mul3A_2] : memref<45056xi32, #tpu.memory_space<hbm>> -> memref<1408xi32, #tpu.memory_space<hbm>>
      tpu.enqueue_dma source(%dma_start3A_134 : memref<1408xi32, #tpu.memory_space<hbm>>) target(%arg5 : memref<1408xi32, #tpu.memory_space<vmem>>) target_semaphore(%run_scoped3A : memref<!tpu.dma_semaphore, #tpu.memory_space<semaphore_mem>>)
      %dma_wait3A_135 = tpu.memref_slice %arg3[%mul3A_2] : memref<45056xi32, #tpu.memory_space<hbm>> -> memref<1408xi32, #tpu.memory_space<hbm>>
      %dma_wait3A_136 = tpu.memref_slice %arg3[%mul3A_2] : memref<45056xi32, #tpu.memory_space<hbm>> -> memref<1408xi32, #tpu.memory_space<hbm>>
      tpu.wait_dma2 semaphore(%run_scoped3A : memref<!tpu.dma_semaphore, #tpu.memory_space<semaphore_mem>>) src(%dma_wait3A_136 : memref<1408xi32, #tpu.memory_space<hbm>>) dst(%arg5 : memref<1408xi32, #tpu.memory_space<vmem>>)
      tpu.yield
    }) : () -> ()
    %dma_start3A = arith.constant 0 : i32
    %dma_start3A_3 = tpu.memref_slice %arg6[%dma_start3A] : memref<1408xf32, #tpu.memory_space<vmem>> -> memref<128xf32, #tpu.memory_space<vmem>>
    %dma_start3A_4 = arith.constant 0 : i32
    %dma_start3A_5 = tpu.memref_slice %arg5[%dma_start3A_4] : memref<1408xi32, #tpu.memory_space<vmem>> -> memref<128xi32, #tpu.memory_space<vmem>>
    %dma_start3A_6 = arith.constant 0 : i32
    %dma_start3A_7 = tpu.memref_slice %arg2[%dma_start3A_6] : memref<11075584xf32, #tpu.memory_space<hbm>> -> memref<11075584xf32, #tpu.memory_space<hbm>>
    tpu.enqueue_indirect_dma source(%dma_start3A_7 : memref<11075584xf32, #tpu.memory_space<hbm>>) target(%dma_start3A_3 : memref<128xf32, #tpu.memory_space<vmem>>) offsets(%dma_start3A_5 : memref<128xi32, #tpu.memory_space<vmem>>) semaphore(%arg7 : memref<!tpu.dma_semaphore, #tpu.memory_space<semaphore_mem>>)
    %dma_start3A_8 = arith.constant 128 : i32
    %dma_start3A_9 = tpu.memref_slice %arg6[%dma_start3A_8] : memref<1408xf32, #tpu.memory_space<vmem>> -> memref<128xf32, #tpu.memory_space<vmem>>
    %dma_start3A_10 = arith.constant 128 : i32
    %dma_start3A_11 = tpu.memref_slice %arg5[%dma_start3A_10] : memref<1408xi32, #tpu.memory_space<vmem>> -> memref<128xi32, #tpu.memory_space<vmem>>
    %dma_start3A_12 = arith.constant 0 : i32
    %dma_start3A_13 = tpu.memref_slice %arg2[%dma_start3A_12] : memref<11075584xf32, #tpu.memory_space<hbm>> -> memref<11075584xf32, #tpu.memory_space<hbm>>
    tpu.enqueue_indirect_dma source(%dma_start3A_13 : memref<11075584xf32, #tpu.memory_space<hbm>>) target(%dma_start3A_9 : memref<128xf32, #tpu.memory_space<vmem>>) offsets(%dma_start3A_11 : memref<128xi32, #tpu.memory_space<vmem>>) semaphore(%arg7 : memref<!tpu.dma_semaphore, #tpu.memory_space<semaphore_mem>>)
    %dma_start3A_14 = arith.constant 256 : i32
    %dma_start3A_15 = tpu.memref_slice %arg6[%dma_start3A_14] : memref<1408xf32, #tpu.memory_space<vmem>> -> memref<128xf32, #tpu.memory_space<vmem>>
    %dma_start3A_16 = arith.constant 256 : i32
    %dma_start3A_17 = tpu.memref_slice %arg5[%dma_start3A_16] : memref<1408xi32, #tpu.memory_space<vmem>> -> memref<128xi32, #tpu.memory_space<vmem>>
    %dma_start3A_18 = arith.constant 0 : i32
    %dma_start3A_19 = tpu.memref_slice %arg2[%dma_start3A_18] : memref<11075584xf32, #tpu.memory_space<hbm>> -> memref<11075584xf32, #tpu.memory_space<hbm>>
    tpu.enqueue_indirect_dma source(%dma_start3A_19 : memref<11075584xf32, #tpu.memory_space<hbm>>) target(%dma_start3A_15 : memref<128xf32, #tpu.memory_space<vmem>>) offsets(%dma_start3A_17 : memref<128xi32, #tpu.memory_space<vmem>>) semaphore(%arg7 : memref<!tpu.dma_semaphore, #tpu.memory_space<semaphore_mem>>)
    %dma_start3A_20 = arith.constant 384 : i32
    %dma_start3A_21 = tpu.memref_slice %arg6[%dma_start3A_20] : memref<1408xf32, #tpu.memory_space<vmem>> -> memref<128xf32, #tpu.memory_space<vmem>>
    %dma_start3A_22 = arith.constant 384 : i32
    %dma_start3A_23 = tpu.memref_slice %arg5[%dma_start3A_22] : memref<1408xi32, #tpu.memory_space<vmem>> -> memref<128xi32, #tpu.memory_space<vmem>>
    %dma_start3A_24 = arith.constant 0 : i32
    %dma_start3A_25 = tpu.memref_slice %arg2[%dma_start3A_24] : memref<11075584xf32, #tpu.memory_space<hbm>> -> memref<11075584xf32, #tpu.memory_space<hbm>>
    tpu.enqueue_indirect_dma source(%dma_start3A_25 : memref<11075584xf32, #tpu.memory_space<hbm>>) target(%dma_start3A_21 : memref<128xf32, #tpu.memory_space<vmem>>) offsets(%dma_start3A_23 : memref<128xi32, #tpu.memory_space<vmem>>) semaphore(%arg7 : memref<!tpu.dma_semaphore, #tpu.memory_space<semaphore_mem>>)
    %dma_start3A_26 = arith.constant 512 : i32
    %dma_start3A_27 = tpu.memref_slice %arg6[%dma_start3A_26] : memref<1408xf32, #tpu.memory_space<vmem>> -> memref<128xf32, #tpu.memory_space<vmem>>
    %dma_start3A_28 = arith.constant 512 : i32
    %dma_start3A_29 = tpu.memref_slice %arg5[%dma_start3A_28] : memref<1408xi32, #tpu.memory_space<vmem>> -> memref<128xi32, #tpu.memory_space<vmem>>
    %dma_start3A_30 = arith.constant 0 : i32
    %dma_start3A_31 = tpu.memref_slice %arg2[%dma_start3A_30] : memref<11075584xf32, #tpu.memory_space<hbm>> -> memref<11075584xf32, #tpu.memory_space<hbm>>
    tpu.enqueue_indirect_dma source(%dma_start3A_31 : memref<11075584xf32, #tpu.memory_space<hbm>>) target(%dma_start3A_27 : memref<128xf32, #tpu.memory_space<vmem>>) offsets(%dma_start3A_29 : memref<128xi32, #tpu.memory_space<vmem>>) semaphore(%arg7 : memref<!tpu.dma_semaphore, #tpu.memory_space<semaphore_mem>>)
    %dma_start3A_32 = arith.constant 640 : i32
    %dma_start3A_33 = tpu.memref_slice %arg6[%dma_start3A_32] : memref<1408xf32, #tpu.memory_space<vmem>> -> memref<128xf32, #tpu.memory_space<vmem>>
    %dma_start3A_34 = arith.constant 640 : i32
    %dma_start3A_35 = tpu.memref_slice %arg5[%dma_start3A_34] : memref<1408xi32, #tpu.memory_space<vmem>> -> memref<128xi32, #tpu.memory_space<vmem>>
    %dma_start3A_36 = arith.constant 0 : i32
    %dma_start3A_37 = tpu.memref_slice %arg2[%dma_start3A_36] : memref<11075584xf32, #tpu.memory_space<hbm>> -> memref<11075584xf32, #tpu.memory_space<hbm>>
    tpu.enqueue_indirect_dma source(%dma_start3A_37 : memref<11075584xf32, #tpu.memory_space<hbm>>) target(%dma_start3A_33 : memref<128xf32, #tpu.memory_space<vmem>>) offsets(%dma_start3A_35 : memref<128xi32, #tpu.memory_space<vmem>>) semaphore(%arg7 : memref<!tpu.dma_semaphore, #tpu.memory_space<semaphore_mem>>)
    %dma_start3A_38 = arith.constant 768 : i32
    %dma_start3A_39 = tpu.memref_slice %arg6[%dma_start3A_38] : memref<1408xf32, #tpu.memory_space<vmem>> -> memref<128xf32, #tpu.memory_space<vmem>>
    %dma_start3A_40 = arith.constant 768 : i32
    %dma_start3A_41 = tpu.memref_slice %arg5[%dma_start3A_40] : memref<1408xi32, #tpu.memory_space<vmem>> -> memref<128xi32, #tpu.memory_space<vmem>>
    %dma_start3A_42 = arith.constant 0 : i32
    %dma_start3A_43 = tpu.memref_slice %arg2[%dma_start3A_42] : memref<11075584xf32, #tpu.memory_space<hbm>> -> memref<11075584xf32, #tpu.memory_space<hbm>>
    tpu.enqueue_indirect_dma source(%dma_start3A_43 : memref<11075584xf32, #tpu.memory_space<hbm>>) target(%dma_start3A_39 : memref<128xf32, #tpu.memory_space<vmem>>) offsets(%dma_start3A_41 : memref<128xi32, #tpu.memory_space<vmem>>) semaphore(%arg7 : memref<!tpu.dma_semaphore, #tpu.memory_space<semaphore_mem>>)
    %dma_start3A_44 = arith.constant 896 : i32
    %dma_start3A_45 = tpu.memref_slice %arg6[%dma_start3A_44] : memref<1408xf32, #tpu.memory_space<vmem>> -> memref<128xf32, #tpu.memory_space<vmem>>
    %dma_start3A_46 = arith.constant 896 : i32
    %dma_start3A_47 = tpu.memref_slice %arg5[%dma_start3A_46] : memref<1408xi32, #tpu.memory_space<vmem>> -> memref<128xi32, #tpu.memory_space<vmem>>
    %dma_start3A_48 = arith.constant 0 : i32
    %dma_start3A_49 = tpu.memref_slice %arg2[%dma_start3A_48] : memref<11075584xf32, #tpu.memory_space<hbm>> -> memref<11075584xf32, #tpu.memory_space<hbm>>
    tpu.enqueue_indirect_dma source(%dma_start3A_49 : memref<11075584xf32, #tpu.memory_space<hbm>>) target(%dma_start3A_45 : memref<128xf32, #tpu.memory_space<vmem>>) offsets(%dma_start3A_47 : memref<128xi32, #tpu.memory_space<vmem>>) semaphore(%arg7 : memref<!tpu.dma_semaphore, #tpu.memory_space<semaphore_mem>>)
    %dma_start3A_50 = arith.constant 1024 : i32
    %dma_start3A_51 = tpu.memref_slice %arg6[%dma_start3A_50] : memref<1408xf32, #tpu.memory_space<vmem>> -> memref<128xf32, #tpu.memory_space<vmem>>
    %dma_start3A_52 = arith.constant 1024 : i32
    %dma_start3A_53 = tpu.memref_slice %arg5[%dma_start3A_52] : memref<1408xi32, #tpu.memory_space<vmem>> -> memref<128xi32, #tpu.memory_space<vmem>>
    %dma_start3A_54 = arith.constant 0 : i32
    %dma_start3A_55 = tpu.memref_slice %arg2[%dma_start3A_54] : memref<11075584xf32, #tpu.memory_space<hbm>> -> memref<11075584xf32, #tpu.memory_space<hbm>>
    tpu.enqueue_indirect_dma source(%dma_start3A_55 : memref<11075584xf32, #tpu.memory_space<hbm>>) target(%dma_start3A_51 : memref<128xf32, #tpu.memory_space<vmem>>) offsets(%dma_start3A_53 : memref<128xi32, #tpu.memory_space<vmem>>) semaphore(%arg7 : memref<!tpu.dma_semaphore, #tpu.memory_space<semaphore_mem>>)
    %dma_start3A_56 = arith.constant 1152 : i32
    %dma_start3A_57 = tpu.memref_slice %arg6[%dma_start3A_56] : memref<1408xf32, #tpu.memory_space<vmem>> -> memref<128xf32, #tpu.memory_space<vmem>>
    %dma_start3A_58 = arith.constant 1152 : i32
    %dma_start3A_59 = tpu.memref_slice %arg5[%dma_start3A_58] : memref<1408xi32, #tpu.memory_space<vmem>> -> memref<128xi32, #tpu.memory_space<vmem>>
    %dma_start3A_60 = arith.constant 0 : i32
    %dma_start3A_61 = tpu.memref_slice %arg2[%dma_start3A_60] : memref<11075584xf32, #tpu.memory_space<hbm>> -> memref<11075584xf32, #tpu.memory_space<hbm>>
    tpu.enqueue_indirect_dma source(%dma_start3A_61 : memref<11075584xf32, #tpu.memory_space<hbm>>) target(%dma_start3A_57 : memref<128xf32, #tpu.memory_space<vmem>>) offsets(%dma_start3A_59 : memref<128xi32, #tpu.memory_space<vmem>>) semaphore(%arg7 : memref<!tpu.dma_semaphore, #tpu.memory_space<semaphore_mem>>)
    %dma_start3A_62 = arith.constant 1280 : i32
    %dma_start3A_63 = tpu.memref_slice %arg6[%dma_start3A_62] : memref<1408xf32, #tpu.memory_space<vmem>> -> memref<128xf32, #tpu.memory_space<vmem>>
    %dma_start3A_64 = arith.constant 1280 : i32
    %dma_start3A_65 = tpu.memref_slice %arg5[%dma_start3A_64] : memref<1408xi32, #tpu.memory_space<vmem>> -> memref<128xi32, #tpu.memory_space<vmem>>
    %dma_start3A_66 = arith.constant 0 : i32
    %dma_start3A_67 = tpu.memref_slice %arg2[%dma_start3A_66] : memref<11075584xf32, #tpu.memory_space<hbm>> -> memref<11075584xf32, #tpu.memory_space<hbm>>
    tpu.enqueue_indirect_dma source(%dma_start3A_67 : memref<11075584xf32, #tpu.memory_space<hbm>>) target(%dma_start3A_63 : memref<128xf32, #tpu.memory_space<vmem>>) offsets(%dma_start3A_65 : memref<128xi32, #tpu.memory_space<vmem>>) semaphore(%arg7 : memref<!tpu.dma_semaphore, #tpu.memory_space<semaphore_mem>>)
    %dma_wait3A = arith.constant 0 : i32
    %dma_wait3A_68 = tpu.memref_slice %arg6[%dma_wait3A] : memref<1408xf32, #tpu.memory_space<vmem>> -> memref<128xf32, #tpu.memory_space<vmem>>
    %dma_wait3A_69 = arith.constant 0 : i32
    %dma_wait3A_70 = tpu.memref_slice %arg5[%dma_wait3A_69] : memref<1408xi32, #tpu.memory_space<vmem>> -> memref<128xi32, #tpu.memory_space<vmem>>
    %dma_wait3A_71 = arith.constant 0 : i32
    %dma_wait3A_72 = tpu.memref_slice %arg2[%dma_wait3A_71] : memref<11075584xf32, #tpu.memory_space<hbm>> -> memref<11075584xf32, #tpu.memory_space<hbm>>
    tpu.wait_indirect_dma semaphore(%arg7 : memref<!tpu.dma_semaphore, #tpu.memory_space<semaphore_mem>>) src(%dma_wait3A_72 : memref<11075584xf32, #tpu.memory_space<hbm>>) dst(%dma_wait3A_68 : memref<128xf32, #tpu.memory_space<vmem>>)
    %dma_wait3A_73 = arith.constant 128 : i32
    %dma_wait3A_74 = tpu.memref_slice %arg6[%dma_wait3A_73] : memref<1408xf32, #tpu.memory_space<vmem>> -> memref<128xf32, #tpu.memory_space<vmem>>
    %dma_wait3A_75 = arith.constant 128 : i32
    %dma_wait3A_76 = tpu.memref_slice %arg5[%dma_wait3A_75] : memref<1408xi32, #tpu.memory_space<vmem>> -> memref<128xi32, #tpu.memory_space<vmem>>
    %dma_wait3A_77 = arith.constant 0 : i32
    %dma_wait3A_78 = tpu.memref_slice %arg2[%dma_wait3A_77] : memref<11075584xf32, #tpu.memory_space<hbm>> -> memref<11075584xf32, #tpu.memory_space<hbm>>
    tpu.wait_indirect_dma semaphore(%arg7 : memref<!tpu.dma_semaphore, #tpu.memory_space<semaphore_mem>>) src(%dma_wait3A_78 : memref<11075584xf32, #tpu.memory_space<hbm>>) dst(%dma_wait3A_74 : memref<128xf32, #tpu.memory_space<vmem>>)
    %dma_wait3A_79 = arith.constant 256 : i32
    %dma_wait3A_80 = tpu.memref_slice %arg6[%dma_wait3A_79] : memref<1408xf32, #tpu.memory_space<vmem>> -> memref<128xf32, #tpu.memory_space<vmem>>
    %dma_wait3A_81 = arith.constant 256 : i32
    %dma_wait3A_82 = tpu.memref_slice %arg5[%dma_wait3A_81] : memref<1408xi32, #tpu.memory_space<vmem>> -> memref<128xi32, #tpu.memory_space<vmem>>
    %dma_wait3A_83 = arith.constant 0 : i32
    %dma_wait3A_84 = tpu.memref_slice %arg2[%dma_wait3A_83] : memref<11075584xf32, #tpu.memory_space<hbm>> -> memref<11075584xf32, #tpu.memory_space<hbm>>
    tpu.wait_indirect_dma semaphore(%arg7 : memref<!tpu.dma_semaphore, #tpu.memory_space<semaphore_mem>>) src(%dma_wait3A_84 : memref<11075584xf32, #tpu.memory_space<hbm>>) dst(%dma_wait3A_80 : memref<128xf32, #tpu.memory_space<vmem>>)
    %dma_wait3A_85 = arith.constant 384 : i32
    %dma_wait3A_86 = tpu.memref_slice %arg6[%dma_wait3A_85] : memref<1408xf32, #tpu.memory_space<vmem>> -> memref<128xf32, #tpu.memory_space<vmem>>
    %dma_wait3A_87 = arith.constant 384 : i32
    %dma_wait3A_88 = tpu.memref_slice %arg5[%dma_wait3A_87] : memref<1408xi32, #tpu.memory_space<vmem>> -> memref<128xi32, #tpu.memory_space<vmem>>
    %dma_wait3A_89 = arith.constant 0 : i32
    %dma_wait3A_90 = tpu.memref_slice %arg2[%dma_wait3A_89] : memref<11075584xf32, #tpu.memory_space<hbm>> -> memref<11075584xf32, #tpu.memory_space<hbm>>
    tpu.wait_indirect_dma semaphore(%arg7 : memref<!tpu.dma_semaphore, #tpu.memory_space<semaphore_mem>>) src(%dma_wait3A_90 : memref<11075584xf32, #tpu.memory_space<hbm>>) dst(%dma_wait3A_86 : memref<128xf32, #tpu.memory_space<vmem>>)
    %dma_wait3A_91 = arith.constant 512 : i32
    %dma_wait3A_92 = tpu.memref_slice %arg6[%dma_wait3A_91] : memref<1408xf32, #tpu.memory_space<vmem>> -> memref<128xf32, #tpu.memory_space<vmem>>
    %dma_wait3A_93 = arith.constant 512 : i32
    %dma_wait3A_94 = tpu.memref_slice %arg5[%dma_wait3A_93] : memref<1408xi32, #tpu.memory_space<vmem>> -> memref<128xi32, #tpu.memory_space<vmem>>
    %dma_wait3A_95 = arith.constant 0 : i32
    %dma_wait3A_96 = tpu.memref_slice %arg2[%dma_wait3A_95] : memref<11075584xf32, #tpu.memory_space<hbm>> -> memref<11075584xf32, #tpu.memory_space<hbm>>
    tpu.wait_indirect_dma semaphore(%arg7 : memref<!tpu.dma_semaphore, #tpu.memory_space<semaphore_mem>>) src(%dma_wait3A_96 : memref<11075584xf32, #tpu.memory_space<hbm>>) dst(%dma_wait3A_92 : memref<128xf32, #tpu.memory_space<vmem>>)
    %dma_wait3A_97 = arith.constant 640 : i32
    %dma_wait3A_98 = tpu.memref_slice %arg6[%dma_wait3A_97] : memref<1408xf32, #tpu.memory_space<vmem>> -> memref<128xf32, #tpu.memory_space<vmem>>
    %dma_wait3A_99 = arith.constant 640 : i32
    %dma_wait3A_100 = tpu.memref_slice %arg5[%dma_wait3A_99] : memref<1408xi32, #tpu.memory_space<vmem>> -> memref<128xi32, #tpu.memory_space<vmem>>
    %dma_wait3A_101 = arith.constant 0 : i32
    %dma_wait3A_102 = tpu.memref_slice %arg2[%dma_wait3A_101] : memref<11075584xf32, #tpu.memory_space<hbm>> -> memref<11075584xf32, #tpu.memory_space<hbm>>
    tpu.wait_indirect_dma semaphore(%arg7 : memref<!tpu.dma_semaphore, #tpu.memory_space<semaphore_mem>>) src(%dma_wait3A_102 : memref<11075584xf32, #tpu.memory_space<hbm>>) dst(%dma_wait3A_98 : memref<128xf32, #tpu.memory_space<vmem>>)
    %dma_wait3A_103 = arith.constant 768 : i32
    %dma_wait3A_104 = tpu.memref_slice %arg6[%dma_wait3A_103] : memref<1408xf32, #tpu.memory_space<vmem>> -> memref<128xf32, #tpu.memory_space<vmem>>
    %dma_wait3A_105 = arith.constant 768 : i32
    %dma_wait3A_106 = tpu.memref_slice %arg5[%dma_wait3A_105] : memref<1408xi32, #tpu.memory_space<vmem>> -> memref<128xi32, #tpu.memory_space<vmem>>
    %dma_wait3A_107 = arith.constant 0 : i32
    %dma_wait3A_108 = tpu.memref_slice %arg2[%dma_wait3A_107] : memref<11075584xf32, #tpu.memory_space<hbm>> -> memref<11075584xf32, #tpu.memory_space<hbm>>
    tpu.wait_indirect_dma semaphore(%arg7 : memref<!tpu.dma_semaphore, #tpu.memory_space<semaphore_mem>>) src(%dma_wait3A_108 : memref<11075584xf32, #tpu.memory_space<hbm>>) dst(%dma_wait3A_104 : memref<128xf32, #tpu.memory_space<vmem>>)
    %dma_wait3A_109 = arith.constant 896 : i32
    %dma_wait3A_110 = tpu.memref_slice %arg6[%dma_wait3A_109] : memref<1408xf32, #tpu.memory_space<vmem>> -> memref<128xf32, #tpu.memory_space<vmem>>
    %dma_wait3A_111 = arith.constant 896 : i32
    %dma_wait3A_112 = tpu.memref_slice %arg5[%dma_wait3A_111] : memref<1408xi32, #tpu.memory_space<vmem>> -> memref<128xi32, #tpu.memory_space<vmem>>
    %dma_wait3A_113 = arith.constant 0 : i32
    %dma_wait3A_114 = tpu.memref_slice %arg2[%dma_wait3A_113] : memref<11075584xf32, #tpu.memory_space<hbm>> -> memref<11075584xf32, #tpu.memory_space<hbm>>
    tpu.wait_indirect_dma semaphore(%arg7 : memref<!tpu.dma_semaphore, #tpu.memory_space<semaphore_mem>>) src(%dma_wait3A_114 : memref<11075584xf32, #tpu.memory_space<hbm>>) dst(%dma_wait3A_110 : memref<128xf32, #tpu.memory_space<vmem>>)
    %dma_wait3A_115 = arith.constant 1024 : i32
    %dma_wait3A_116 = tpu.memref_slice %arg6[%dma_wait3A_115] : memref<1408xf32, #tpu.memory_space<vmem>> -> memref<128xf32, #tpu.memory_space<vmem>>
    %dma_wait3A_117 = arith.constant 1024 : i32
    %dma_wait3A_118 = tpu.memref_slice %arg5[%dma_wait3A_117] : memref<1408xi32, #tpu.memory_space<vmem>> -> memref<128xi32, #tpu.memory_space<vmem>>
    %dma_wait3A_119 = arith.constant 0 : i32
    %dma_wait3A_120 = tpu.memref_slice %arg2[%dma_wait3A_119] : memref<11075584xf32, #tpu.memory_space<hbm>> -> memref<11075584xf32, #tpu.memory_space<hbm>>
    tpu.wait_indirect_dma semaphore(%arg7 : memref<!tpu.dma_semaphore, #tpu.memory_space<semaphore_mem>>) src(%dma_wait3A_120 : memref<11075584xf32, #tpu.memory_space<hbm>>) dst(%dma_wait3A_116 : memref<128xf32, #tpu.memory_space<vmem>>)
    %dma_wait3A_121 = arith.constant 1152 : i32
    %dma_wait3A_122 = tpu.memref_slice %arg6[%dma_wait3A_121] : memref<1408xf32, #tpu.memory_space<vmem>> -> memref<128xf32, #tpu.memory_space<vmem>>
    %dma_wait3A_123 = arith.constant 1152 : i32
    %dma_wait3A_124 = tpu.memref_slice %arg5[%dma_wait3A_123] : memref<1408xi32, #tpu.memory_space<vmem>> -> memref<128xi32, #tpu.memory_space<vmem>>
    %dma_wait3A_125 = arith.constant 0 : i32
    %dma_wait3A_126 = tpu.memref_slice %arg2[%dma_wait3A_125] : memref<11075584xf32, #tpu.memory_space<hbm>> -> memref<11075584xf32, #tpu.memory_space<hbm>>
    tpu.wait_indirect_dma semaphore(%arg7 : memref<!tpu.dma_semaphore, #tpu.memory_space<semaphore_mem>>) src(%dma_wait3A_126 : memref<11075584xf32, #tpu.memory_space<hbm>>) dst(%dma_wait3A_122 : memref<128xf32, #tpu.memory_space<vmem>>)
    %dma_wait3A_127 = arith.constant 1280 : i32
    %dma_wait3A_128 = tpu.memref_slice %arg6[%dma_wait3A_127] : memref<1408xf32, #tpu.memory_space<vmem>> -> memref<128xf32, #tpu.memory_space<vmem>>
    %dma_wait3A_129 = arith.constant 1280 : i32
    %dma_wait3A_130 = tpu.memref_slice %arg5[%dma_wait3A_129] : memref<1408xi32, #tpu.memory_space<vmem>> -> memref<128xi32, #tpu.memory_space<vmem>>
    %dma_wait3A_131 = arith.constant 0 : i32
    %dma_wait3A_132 = tpu.memref_slice %arg2[%dma_wait3A_131] : memref<11075584xf32, #tpu.memory_space<hbm>> -> memref<11075584xf32, #tpu.memory_space<hbm>>
    tpu.wait_indirect_dma semaphore(%arg7 : memref<!tpu.dma_semaphore, #tpu.memory_space<semaphore_mem>>) src(%dma_wait3A_132 : memref<11075584xf32, #tpu.memory_space<hbm>>) dst(%dma_wait3A_128 : memref<128xf32, #tpu.memory_space<vmem>>)
    "tpu.region"() ({
      %run_scoped3A = tpu.sem_alloc : memref<!tpu.dma_semaphore, #tpu.memory_space<semaphore_mem>>
      %dma_start3A_133 = tpu.memref_slice %arg4[%mul3A_2] : memref<45056xf32, #tpu.memory_space<hbm>> -> memref<1408xf32, #tpu.memory_space<hbm>>
      %dma_start3A_134 = tpu.memref_slice %arg4[%mul3A_2] : memref<45056xf32, #tpu.memory_space<hbm>> -> memref<1408xf32, #tpu.memory_space<hbm>>
      tpu.enqueue_dma source(%arg6 : memref<1408xf32, #tpu.memory_space<vmem>>) target(%dma_start3A_134 : memref<1408xf32, #tpu.memory_space<hbm>>) target_semaphore(%run_scoped3A : memref<!tpu.dma_semaphore, #tpu.memory_space<semaphore_mem>>)
      %dma_wait3A_135 = tpu.memref_slice %arg4[%mul3A_2] : memref<45056xf32, #tpu.memory_space<hbm>> -> memref<1408xf32, #tpu.memory_space<hbm>>
      %dma_wait3A_136 = tpu.memref_slice %arg4[%mul3A_2] : memref<45056xf32, #tpu.memory_space<hbm>> -> memref<1408xf32, #tpu.memory_space<hbm>>
      tpu.wait_dma2 semaphore(%run_scoped3A : memref<!tpu.dma_semaphore, #tpu.memory_space<semaphore_mem>>) src(%arg6 : memref<1408xf32, #tpu.memory_space<vmem>>) dst(%dma_wait3A_136 : memref<1408xf32, #tpu.memory_space<hbm>>)
      tpu.yield
    }) : () -> ()
    return
  }
}

module attributes {stable_mosaic.version = 14 : i64} {
  func.func @_main_body(%arg0: i32, %arg1: memref<32xi32, #tpu.memory_space<smem>>, %arg2: memref<32xi32, #tpu.memory_space<smem>>, %arg3: memref<1xi32, #tpu.memory_space<smem>>, %arg4: memref<1x11x16384xf32, #tpu.memory_space<vmem>>, %arg5: memref<1x8x16384xf32, #tpu.memory_space<vmem>>, %arg6: memref<1x8x176xf32, #tpu.memory_space<vmem>>, %arg7: memref<1x8x8xf32, #tpu.memory_space<vmem>>, %arg8: memref<1x128xf32, #tpu.memory_space<vmem>>, %arg9: memref<24x16384xf32, #tpu.memory_space<vmem>>, %arg10: memref<65x11xf32, #tpu.memory_space<vmem>>, %arg11: memref<65x65xf32, #tpu.memory_space<vmem>>, %arg12: memref<8x65xf32, #tpu.memory_space<vmem>>) attributes {dimension_semantics = [#tpu.dimension_semantics<arbitrary>], iteration_bounds = array<i64: 32>, scalar_prefetch = 3 : i64, scratch_operands = 4 : i64, tpu.core_type = #tpu.core_type<tc>, window_params = [{transform_indices = @transform_0, window_bounds = array<i64: 1, 11, 16384>}, {transform_indices = @transform_1, window_bounds = array<i64: 1, 8, 16384>}, {transform_indices = @transform_2, window_bounds = array<i64: 1, 8, 176>}, {transform_indices = @transform_3, window_bounds = array<i64: 1, 8, 8>}, {pipeline_mode = #tpu.pipeline_mode<synchronous>, transform_indices = @transform_4, window_bounds = array<i64: 1, 128>}]} {
    %eq3A = arith.constant 0 : i32
    %eq3A_0 = arith.cmpi eq, %arg0, %eq3A : i32
    %convert_element_type3A = arith.extui %eq3A_0 : i1 to i32
    %cond3A = arith.constant 0 : i32
    %cond3A_1 = arith.cmpi ne, %convert_element_type3A, %cond3A : i32
    scf.if %cond3A_1 {
      %broadcast_in_dim3A = arith.constant 0.000000e+00 : f32
      %broadcast_in_dim3A_11 = vector.broadcast %broadcast_in_dim3A : f32 to vector<24x16384xf32>
      %swap3A = arith.constant 0 : index
      %swap3A_12 = arith.constant 0 : index
      %swap3A_13 = vector.load %arg9[%swap3A, %swap3A_12] : memref<24x16384xf32, #tpu.memory_space<vmem>>, vector<24x16384xf32>
      tpu.vector_store %arg9[%swap3A, %swap3A_12], %broadcast_in_dim3A_11 {strides = array<i32>} : memref<24x16384xf32, #tpu.memory_space<vmem>>, vector<24x16384xf32>,
    } else {
    }
    %get3A = arith.constant 0 : index
    %get3A_2 = memref.load %arg3[%get3A] : memref<1xi32, #tpu.memory_space<smem>>
    %lt3A = arith.cmpi slt, %arg0, %get3A_2 : i32
    %convert_element_type3A_3 = arith.extui %lt3A : i1 to i32
    %cond3A_4 = arith.constant 0 : i32
    %cond3A_5 = arith.cmpi ne, %convert_element_type3A_3, %cond3A_4 : i32
    scf.if %cond3A_5 {
      %get3A_11 = arith.constant 0 : index
      %get3A_12 = arith.constant 0 : index
      %get3A_13 = arith.constant 0 : index
      %get3A_14 = vector.load %arg6[%get3A_11, %get3A_12, %get3A_13] : memref<1x8x176xf32, #tpu.memory_space<vmem>>, vector<1x8x176xf32>
      %get3A_15 = vector.shape_cast %get3A_14 : vector<1x8x176xf32> to vector<8x176xf32>
      %get3A_16 = arith.constant 0 : index
      %get3A_17 = arith.constant 0 : index
      %get3A_18 = arith.constant 0 : index
      %get3A_19 = vector.load %arg7[%get3A_16, %get3A_17, %get3A_18] : memref<1x8x8xf32, #tpu.memory_space<vmem>>, vector<1x8x8xf32>
      %get3A_20 = vector.shape_cast %get3A_19 : vector<1x8x8xf32> to vector<8x8xf32>
      %slice3A = vector.extract_strided_slice %get3A_20 {offsets = [0, 0], sizes = [8, 1], strides = [1, 1]} : vector<8x8xf32> to vector<8x1xf32>
      %slice3A_21 = vector.extract_strided_slice %get3A_20 {offsets = [0, 1], sizes = [8, 1], strides = [1, 1]} : vector<8x8xf32> to vector<8x1xf32>
      %slice3A_22 = vector.extract_strided_slice %get3A_20 {offsets = [0, 2], sizes = [8, 1], strides = [1, 1]} : vector<8x8xf32> to vector<8x1xf32>
      %iota3A = tpu.iota {dimensions = array<i32: 0>} : vector<8x8xi32>
      %iota3A_23 = tpu.iota {dimensions = array<i32: 1>} : vector<8x8xi32>
      %eq3A_24 = arith.cmpi eq, %iota3A, %iota3A_23 : vector<8x8xi32>
      %convert_element_type3A_25 = arith.extui %eq3A_24 : vector<8x8xi1> to vector<8x8xi32>
      %convert_element_type3A_26 = arith.sitofp %convert_element_type3A_25 : vector<8x8xi32> to vector<8x8xf32>
      %slice3A_27 = vector.extract_strided_slice %get3A_15 {offsets = [0, 0], sizes = [8, 10], strides = [1, 1]} : vector<8x176xf32> to vector<8x10xf32>
      %swap3A = arith.constant 0 : index
      %swap3A_28 = arith.constant 0 : index
      %swap3A_29 = vector.load %arg10[%swap3A, %swap3A_28] : memref<65x11xf32, #tpu.memory_space<vmem>>, vector<8x10xf32>
      tpu.vector_store %arg10[%swap3A, %swap3A_28], %slice3A_27 {strides = array<i32>} : memref<65x11xf32, #tpu.memory_space<vmem>>, vector<8x10xf32>,
      %slice3A_30 = vector.extract_strided_slice %get3A_15 {offsets = [0, 152], sizes = [8, 1], strides = [1, 1]} : vector<8x176xf32> to vector<8x1xf32>
      %slice3A_31 = vector.extract_strided_slice %get3A_15 {offsets = [0, 8], sizes = [8, 1], strides = [1, 1]} : vector<8x176xf32> to vector<8x1xf32>
      %mul3A = arith.mulf %slice3A_31, %slice3A : vector<8x1xf32>
      %slice3A_32 = vector.extract_strided_slice %get3A_15 {offsets = [0, 9], sizes = [8, 1], strides = [1, 1]} : vector<8x176xf32> to vector<8x1xf32>
      %mul3A_33 = arith.mulf %slice3A_32, %slice3A_21 : vector<8x1xf32>
      %add3A = arith.addf %mul3A, %mul3A_33 : vector<8x1xf32>
      %mul3A_34 = arith.constant 7.812500e-03 : f32
      %mul3A_35 = vector.broadcast %mul3A_34 : f32 to vector<8x1xf32>
      %mul3A_36 = arith.mulf %add3A, %mul3A_35 : vector<8x1xf32>
      %sub3A = arith.subf %slice3A_30, %mul3A_36 : vector<8x1xf32>
      %swap3A_37 = arith.constant 0 : index
      %swap3A_38 = arith.constant 10 : index
      %swap3A_39 = vector.load %arg10[%swap3A_37, %swap3A_38] : memref<65x11xf32, #tpu.memory_space<vmem>>, vector<8x1xf32>
      tpu.vector_store %arg10[%swap3A_37, %swap3A_38], %sub3A {strides = array<i32>} : memref<65x11xf32, #tpu.memory_space<vmem>>, vector<8x1xf32>,
      %slice3A_40 = vector.extract_strided_slice %get3A_15 {offsets = [0, 10], sizes = [8, 10], strides = [1, 1]} : vector<8x176xf32> to vector<8x10xf32>
      %swap3A_41 = arith.constant 8 : index
      %swap3A_42 = arith.constant 0 : index
      %swap3A_43 = vector.load %arg10[%swap3A_41, %swap3A_42] : memref<65x11xf32, #tpu.memory_space<vmem>>, vector<8x10xf32>
      tpu.vector_store %arg10[%swap3A_41, %swap3A_42], %slice3A_40 {strides = array<i32>} : memref<65x11xf32, #tpu.memory_space<vmem>>, vector<8x10xf32>,
      %slice3A_44 = vector.extract_strided_slice %get3A_15 {offsets = [0, 153], sizes = [8, 1], strides = [1, 1]} : vector<8x176xf32> to vector<8x1xf32>
      %slice3A_45 = vector.extract_strided_slice %get3A_15 {offsets = [0, 18], sizes = [8, 1], strides = [1, 1]} : vector<8x176xf32> to vector<8x1xf32>
      %mul3A_46 = arith.mulf %slice3A_45, %slice3A : vector<8x1xf32>
      %slice3A_47 = vector.extract_strided_slice %get3A_15 {offsets = [0, 19], sizes = [8, 1], strides = [1, 1]} : vector<8x176xf32> to vector<8x1xf32>
      %mul3A_48 = arith.mulf %slice3A_47, %slice3A_21 : vector<8x1xf32>
      %add3A_49 = arith.addf %mul3A_46, %mul3A_48 : vector<8x1xf32>
      %mul3A_50 = arith.constant 7.812500e-03 : f32
      %mul3A_51 = vector.broadcast %mul3A_50 : f32 to vector<8x1xf32>
      %mul3A_52 = arith.mulf %add3A_49, %mul3A_51 : vector<8x1xf32>
      %sub3A_53 = arith.subf %slice3A_44, %mul3A_52 : vector<8x1xf32>
      %swap3A_54 = arith.constant 8 : index
      %swap3A_55 = arith.constant 10 : index
      %swap3A_56 = vector.load %arg10[%swap3A_54, %swap3A_55] : memref<65x11xf32, #tpu.memory_space<vmem>>, vector<8x1xf32>
      tpu.vector_store %arg10[%swap3A_54, %swap3A_55], %sub3A_53 {strides = array<i32>} : memref<65x11xf32, #tpu.memory_space<vmem>>, vector<8x1xf32>,
      %slice3A_57 = vector.extract_strided_slice %get3A_15 {offsets = [0, 20], sizes = [8, 10], strides = [1, 1]} : vector<8x176xf32> to vector<8x10xf32>
      %swap3A_58 = arith.constant 16 : index
      %swap3A_59 = arith.constant 0 : index
      %swap3A_60 = vector.load %arg10[%swap3A_58, %swap3A_59] : memref<65x11xf32, #tpu.memory_space<vmem>>, vector<8x10xf32>
      tpu.vector_store %arg10[%swap3A_58, %swap3A_59], %slice3A_57 {strides = array<i32>} : memref<65x11xf32, #tpu.memory_space<vmem>>, vector<8x10xf32>,
      %slice3A_61 = vector.extract_strided_slice %get3A_15 {offsets = [0, 154], sizes = [8, 1], strides = [1, 1]} : vector<8x176xf32> to vector<8x1xf32>
      %slice3A_62 = vector.extract_strided_slice %get3A_15 {offsets = [0, 28], sizes = [8, 1], strides = [1, 1]} : vector<8x176xf32> to vector<8x1xf32>
      %mul3A_63 = arith.mulf %slice3A_62, %slice3A : vector<8x1xf32>
      %slice3A_64 = vector.extract_strided_slice %get3A_15 {offsets = [0, 29], sizes = [8, 1], strides = [1, 1]} : vector<8x176xf32> to vector<8x1xf32>
      %mul3A_65 = arith.mulf %slice3A_64, %slice3A_21 : vector<8x1xf32>
      %add3A_66 = arith.addf %mul3A_63, %mul3A_65 : vector<8x1xf32>
      %mul3A_67 = arith.constant 7.812500e-03 : f32
      %mul3A_68 = vector.broadcast %mul3A_67 : f32 to vector<8x1xf32>
      %mul3A_69 = arith.mulf %add3A_66, %mul3A_68 : vector<8x1xf32>
      %sub3A_70 = arith.subf %slice3A_61, %mul3A_69 : vector<8x1xf32>
      %swap3A_71 = arith.constant 16 : index
      %swap3A_72 = arith.constant 10 : index
      %swap3A_73 = vector.load %arg10[%swap3A_71, %swap3A_72] : memref<65x11xf32, #tpu.memory_space<vmem>>, vector<8x1xf32>
      tpu.vector_store %arg10[%swap3A_71, %swap3A_72], %sub3A_70 {strides = array<i32>} : memref<65x11xf32, #tpu.memory_space<vmem>>, vector<8x1xf32>,
      %slice3A_74 = vector.extract_strided_slice %get3A_15 {offsets = [0, 30], sizes = [8, 10], strides = [1, 1]} : vector<8x176xf32> to vector<8x10xf32>
      %swap3A_75 = arith.constant 24 : index
      %swap3A_76 = arith.constant 0 : index
      %swap3A_77 = vector.load %arg10[%swap3A_75, %swap3A_76] : memref<65x11xf32, #tpu.memory_space<vmem>>, vector<8x10xf32>
      tpu.vector_store %arg10[%swap3A_75, %swap3A_76], %slice3A_74 {strides = array<i32>} : memref<65x11xf32, #tpu.memory_space<vmem>>, vector<8x10xf32>,
      %slice3A_78 = vector.extract_strided_slice %get3A_15 {offsets = [0, 155], sizes = [8, 1], strides = [1, 1]} : vector<8x176xf32> to vector<8x1xf32>
      %slice3A_79 = vector.extract_strided_slice %get3A_15 {offsets = [0, 38], sizes = [8, 1], strides = [1, 1]} : vector<8x176xf32> to vector<8x1xf32>
      %mul3A_80 = arith.mulf %slice3A_79, %slice3A : vector<8x1xf32>
      %slice3A_81 = vector.extract_strided_slice %get3A_15 {offsets = [0, 39], sizes = [8, 1], strides = [1, 1]} : vector<8x176xf32> to vector<8x1xf32>
      %mul3A_82 = arith.mulf %slice3A_81, %slice3A_21 : vector<8x1xf32>
      %add3A_83 = arith.addf %mul3A_80, %mul3A_82 : vector<8x1xf32>
      %mul3A_84 = arith.constant 7.812500e-03 : f32
      %mul3A_85 = vector.broadcast %mul3A_84 : f32 to vector<8x1xf32>
      %mul3A_86 = arith.mulf %add3A_83, %mul3A_85 : vector<8x1xf32>
      %sub3A_87 = arith.subf %slice3A_78, %mul3A_86 : vector<8x1xf32>
      %swap3A_88 = arith.constant 24 : index
      %swap3A_89 = arith.constant 10 : index
      %swap3A_90 = vector.load %arg10[%swap3A_88, %swap3A_89] : memref<65x11xf32, #tpu.memory_space<vmem>>, vector<8x1xf32>
      tpu.vector_store %arg10[%swap3A_88, %swap3A_89], %sub3A_87 {strides = array<i32>} : memref<65x11xf32, #tpu.memory_space<vmem>>, vector<8x1xf32>,
      %slice3A_91 = vector.extract_strided_slice %get3A_15 {offsets = [0, 40], sizes = [8, 10], strides = [1, 1]} : vector<8x176xf32> to vector<8x10xf32>
      %swap3A_92 = arith.constant 32 : index
      %swap3A_93 = arith.constant 0 : index
      %swap3A_94 = vector.load %arg10[%swap3A_92, %swap3A_93] : memref<65x11xf32, #tpu.memory_space<vmem>>, vector<8x10xf32>
      tpu.vector_store %arg10[%swap3A_92, %swap3A_93], %slice3A_91 {strides = array<i32>} : memref<65x11xf32, #tpu.memory_space<vmem>>, vector<8x10xf32>,
      %slice3A_95 = vector.extract_strided_slice %get3A_15 {offsets = [0, 156], sizes = [8, 1], strides = [1, 1]} : vector<8x176xf32> to vector<8x1xf32>
      %slice3A_96 = vector.extract_strided_slice %get3A_15 {offsets = [0, 48], sizes = [8, 1], strides = [1, 1]} : vector<8x176xf32> to vector<8x1xf32>
      %mul3A_97 = arith.mulf %slice3A_96, %slice3A : vector<8x1xf32>
      %slice3A_98 = vector.extract_strided_slice %get3A_15 {offsets = [0, 49], sizes = [8, 1], strides = [1, 1]} : vector<8x176xf32> to vector<8x1xf32>
      %mul3A_99 = arith.mulf %slice3A_98, %slice3A_21 : vector<8x1xf32>
      %add3A_100 = arith.addf %mul3A_97, %mul3A_99 : vector<8x1xf32>
      %mul3A_101 = arith.constant 7.812500e-03 : f32
      %mul3A_102 = vector.broadcast %mul3A_101 : f32 to vector<8x1xf32>
      %mul3A_103 = arith.mulf %add3A_100, %mul3A_102 : vector<8x1xf32>
      %sub3A_104 = arith.subf %slice3A_95, %mul3A_103 : vector<8x1xf32>
      %swap3A_105 = arith.constant 32 : index
      %swap3A_106 = arith.constant 10 : index
      %swap3A_107 = vector.load %arg10[%swap3A_105, %swap3A_106] : memref<65x11xf32, #tpu.memory_space<vmem>>, vector<8x1xf32>
      tpu.vector_store %arg10[%swap3A_105, %swap3A_106], %sub3A_104 {strides = array<i32>} : memref<65x11xf32, #tpu.memory_space<vmem>>, vector<8x1xf32>,
      %slice3A_108 = vector.extract_strided_slice %get3A_15 {offsets = [0, 50], sizes = [8, 10], strides = [1, 1]} : vector<8x176xf32> to vector<8x10xf32>
      %swap3A_109 = arith.constant 40 : index
      %swap3A_110 = arith.constant 0 : index
      %swap3A_111 = vector.load %arg10[%swap3A_109, %swap3A_110] : memref<65x11xf32, #tpu.memory_space<vmem>>, vector<8x10xf32>
      tpu.vector_store %arg10[%swap3A_109, %swap3A_110], %slice3A_108 {strides = array<i32>} : memref<65x11xf32, #tpu.memory_space<vmem>>, vector<8x10xf32>,
      %slice3A_112 = vector.extract_strided_slice %get3A_15 {offsets = [0, 157], sizes = [8, 1], strides = [1, 1]} : vector<8x176xf32> to vector<8x1xf32>
      %slice3A_113 = vector.extract_strided_slice %get3A_15 {offsets = [0, 58], sizes = [8, 1], strides = [1, 1]} : vector<8x176xf32> to vector<8x1xf32>
      %mul3A_114 = arith.mulf %slice3A_113, %slice3A : vector<8x1xf32>
      %slice3A_115 = vector.extract_strided_slice %get3A_15 {offsets = [0, 59], sizes = [8, 1], strides = [1, 1]} : vector<8x176xf32> to vector<8x1xf32>
      %mul3A_116 = arith.mulf %slice3A_115, %slice3A_21 : vector<8x1xf32>
      %add3A_117 = arith.addf %mul3A_114, %mul3A_116 : vector<8x1xf32>
      %mul3A_118 = arith.constant 7.812500e-03 : f32
      %mul3A_119 = vector.broadcast %mul3A_118 : f32 to vector<8x1xf32>
      %mul3A_120 = arith.mulf %add3A_117, %mul3A_119 : vector<8x1xf32>
      %sub3A_121 = arith.subf %slice3A_112, %mul3A_120 : vector<8x1xf32>
      %swap3A_122 = arith.constant 40 : index
      %swap3A_123 = arith.constant 10 : index
      %swap3A_124 = vector.load %arg10[%swap3A_122, %swap3A_123] : memref<65x11xf32, #tpu.memory_space<vmem>>, vector<8x1xf32>
      tpu.vector_store %arg10[%swap3A_122, %swap3A_123], %sub3A_121 {strides = array<i32>} : memref<65x11xf32, #tpu.memory_space<vmem>>, vector<8x1xf32>,
      %slice3A_125 = vector.extract_strided_slice %get3A_15 {offsets = [0, 60], sizes = [8, 10], strides = [1, 1]} : vector<8x176xf32> to vector<8x10xf32>
      %swap3A_126 = arith.constant 48 : index
      %swap3A_127 = arith.constant 0 : index
      %swap3A_128 = vector.load %arg10[%swap3A_126, %swap3A_127] : memref<65x11xf32, #tpu.memory_space<vmem>>, vector<8x10xf32>
      tpu.vector_store %arg10[%swap3A_126, %swap3A_127], %slice3A_125 {strides = array<i32>} : memref<65x11xf32, #tpu.memory_space<vmem>>, vector<8x10xf32>,
      %slice3A_129 = vector.extract_strided_slice %get3A_15 {offsets = [0, 158], sizes = [8, 1], strides = [1, 1]} : vector<8x176xf32> to vector<8x1xf32>
      %slice3A_130 = vector.extract_strided_slice %get3A_15 {offsets = [0, 68], sizes = [8, 1], strides = [1, 1]} : vector<8x176xf32> to vector<8x1xf32>
      %mul3A_131 = arith.mulf %slice3A_130, %slice3A : vector<8x1xf32>
      %slice3A_132 = vector.extract_strided_slice %get3A_15 {offsets = [0, 69], sizes = [8, 1], strides = [1, 1]} : vector<8x176xf32> to vector<8x1xf32>
      %mul3A_133 = arith.mulf %slice3A_132, %slice3A_21 : vector<8x1xf32>
      %add3A_134 = arith.addf %mul3A_131, %mul3A_133 : vector<8x1xf32>
      %mul3A_135 = arith.constant 7.812500e-03 : f32
      %mul3A_136 = vector.broadcast %mul3A_135 : f32 to vector<8x1xf32>
      %mul3A_137 = arith.mulf %add3A_134, %mul3A_136 : vector<8x1xf32>
      %sub3A_138 = arith.subf %slice3A_129, %mul3A_137 : vector<8x1xf32>
      %swap3A_139 = arith.constant 48 : index
      %swap3A_140 = arith.constant 10 : index
      %swap3A_141 = vector.load %arg10[%swap3A_139, %swap3A_140] : memref<65x11xf32, #tpu.memory_space<vmem>>, vector<8x1xf32>
      tpu.vector_store %arg10[%swap3A_139, %swap3A_140], %sub3A_138 {strides = array<i32>} : memref<65x11xf32, #tpu.memory_space<vmem>>, vector<8x1xf32>,
      %slice3A_142 = vector.extract_strided_slice %get3A_15 {offsets = [0, 70], sizes = [8, 10], strides = [1, 1]} : vector<8x176xf32> to vector<8x10xf32>
      %swap3A_143 = arith.constant 56 : index
      %swap3A_144 = arith.constant 0 : index
      %swap3A_145 = vector.load %arg10[%swap3A_143, %swap3A_144] : memref<65x11xf32, #tpu.memory_space<vmem>>, vector<8x10xf32>
      tpu.vector_store %arg10[%swap3A_143, %swap3A_144], %slice3A_142 {strides = array<i32>} : memref<65x11xf32, #tpu.memory_space<vmem>>, vector<8x10xf32>,
      %slice3A_146 = vector.extract_strided_slice %get3A_15 {offsets = [0, 159], sizes = [8, 1], strides = [1, 1]} : vector<8x176xf32> to vector<8x1xf32>
      %slice3A_147 = vector.extract_strided_slice %get3A_15 {offsets = [0, 78], sizes = [8, 1], strides = [1, 1]} : vector<8x176xf32> to vector<8x1xf32>
      %mul3A_148 = arith.mulf %slice3A_147, %slice3A : vector<8x1xf32>
      %slice3A_149 = vector.extract_strided_slice %get3A_15 {offsets = [0, 79], sizes = [8, 1], strides = [1, 1]} : vector<8x176xf32> to vector<8x1xf32>
      %mul3A_150 = arith.mulf %slice3A_149, %slice3A_21 : vector<8x1xf32>
      %add3A_151 = arith.addf %mul3A_148, %mul3A_150 : vector<8x1xf32>
      %mul3A_152 = arith.constant 7.812500e-03 : f32
      %mul3A_153 = vector.broadcast %mul3A_152 : f32 to vector<8x1xf32>
      %mul3A_154 = arith.mulf %add3A_151, %mul3A_153 : vector<8x1xf32>
      %sub3A_155 = arith.subf %slice3A_146, %mul3A_154 : vector<8x1xf32>
      %swap3A_156 = arith.constant 56 : index
      %swap3A_157 = arith.constant 10 : index
      %swap3A_158 = vector.load %arg10[%swap3A_156, %swap3A_157] : memref<65x11xf32, #tpu.memory_space<vmem>>, vector<8x1xf32>
      tpu.vector_store %arg10[%swap3A_156, %swap3A_157], %sub3A_155 {strides = array<i32>} : memref<65x11xf32, #tpu.memory_space<vmem>>, vector<8x1xf32>,
      %iota3A_159 = tpu.iota {dimensions = array<i32: 1>} : vector<1x11xi32>
      %eq3A_160 = arith.constant 10 : i32
      %eq3A_161 = vector.broadcast %eq3A_160 : i32 to vector<1x11xi32>
      %eq3A_162 = arith.cmpi eq, %iota3A_159, %eq3A_161 : vector<1x11xi32>
      %convert_element_type3A_163 = arith.extui %eq3A_162 : vector<1x11xi1> to vector<1x11xi32>
      %convert_element_type3A_164 = arith.sitofp %convert_element_type3A_163 : vector<1x11xi32> to vector<1x11xf32>
      %swap3A_165 = arith.constant 64 : index
      %swap3A_166 = arith.constant 0 : index
      %swap3A_167 = vector.load %arg10[%swap3A_165, %swap3A_166] : memref<65x11xf32, #tpu.memory_space<vmem>>, vector<1x11xf32>
      tpu.vector_store %arg10[%swap3A_165, %swap3A_166], %convert_element_type3A_164 {strides = array<i32>} : memref<65x11xf32, #tpu.memory_space<vmem>>, vector<1x11xf32>,
      %slice3A_168 = vector.extract_strided_slice %get3A_15 {offsets = [0, 80], sizes = [8, 1], strides = [1, 1]} : vector<8x176xf32> to vector<8x1xf32>
      %mul3A_169 = vector.broadcast %slice3A_168 : vector<8x1xf32> to vector<8x8xf32>
      %mul3A_170 = arith.mulf %mul3A_169, %convert_element_type3A_26 : vector<8x8xf32>
      %swap3A_171 = arith.constant 0 : index
      %swap3A_172 = arith.constant 0 : index
      %swap3A_173 = vector.load %arg11[%swap3A_171, %swap3A_172] : memref<65x65xf32, #tpu.memory_space<vmem>>, vector<8x8xf32>
      tpu.vector_store %arg11[%swap3A_171, %swap3A_172], %mul3A_170 {strides = array<i32>} : memref<65x65xf32, #tpu.memory_space<vmem>>, vector<8x8xf32>,
      %slice3A_174 = vector.extract_strided_slice %get3A_15 {offsets = [0, 81], sizes = [8, 1], strides = [1, 1]} : vector<8x176xf32> to vector<8x1xf32>
      %mul3A_175 = vector.broadcast %slice3A_174 : vector<8x1xf32> to vector<8x8xf32>
      %mul3A_176 = arith.mulf %mul3A_175, %convert_element_type3A_26 : vector<8x8xf32>
      %swap3A_177 = arith.constant 0 : index
      %swap3A_178 = arith.constant 8 : index
      %swap3A_179 = vector.load %arg11[%swap3A_177, %swap3A_178] : memref<65x65xf32, #tpu.memory_space<vmem>>, vector<8x8xf32>
      tpu.vector_store %arg11[%swap3A_177, %swap3A_178], %mul3A_176 {strides = array<i32>} : memref<65x65xf32, #tpu.memory_space<vmem>>, vector<8x8xf32>,
      %slice3A_180 = vector.extract_strided_slice %get3A_15 {offsets = [0, 82], sizes = [8, 1], strides = [1, 1]} : vector<8x176xf32> to vector<8x1xf32>
      %mul3A_181 = vector.broadcast %slice3A_180 : vector<8x1xf32> to vector<8x8xf32>
      %mul3A_182 = arith.mulf %mul3A_181, %convert_element_type3A_26 : vector<8x8xf32>
      %swap3A_183 = arith.constant 0 : index
      %swap3A_184 = arith.constant 16 : index
      %swap3A_185 = vector.load %arg11[%swap3A_183, %swap3A_184] : memref<65x65xf32, #tpu.memory_space<vmem>>, vector<8x8xf32>
      tpu.vector_store %arg11[%swap3A_183, %swap3A_184], %mul3A_182 {strides = array<i32>} : memref<65x65xf32, #tpu.memory_space<vmem>>, vector<8x8xf32>,
      %slice3A_186 = vector.extract_strided_slice %get3A_15 {offsets = [0, 83], sizes = [8, 1], strides = [1, 1]} : vector<8x176xf32> to vector<8x1xf32>
      %mul3A_187 = vector.broadcast %slice3A_186 : vector<8x1xf32> to vector<8x8xf32>
      %mul3A_188 = arith.mulf %mul3A_187, %convert_element_type3A_26 : vector<8x8xf32>
      %swap3A_189 = arith.constant 0 : index
      %swap3A_190 = arith.constant 24 : index
      %swap3A_191 = vector.load %arg11[%swap3A_189, %swap3A_190] : memref<65x65xf32, #tpu.memory_space<vmem>>, vector<8x8xf32>
      tpu.vector_store %arg11[%swap3A_189, %swap3A_190], %mul3A_188 {strides = array<i32>} : memref<65x65xf32, #tpu.memory_space<vmem>>, vector<8x8xf32>,
      %slice3A_192 = vector.extract_strided_slice %get3A_15 {offsets = [0, 84], sizes = [8, 1], strides = [1, 1]} : vector<8x176xf32> to vector<8x1xf32>
      %mul3A_193 = vector.broadcast %slice3A_192 : vector<8x1xf32> to vector<8x8xf32>
      %mul3A_194 = arith.mulf %mul3A_193, %convert_element_type3A_26 : vector<8x8xf32>
      %swap3A_195 = arith.constant 0 : index
      %swap3A_196 = arith.constant 32 : index
      %swap3A_197 = vector.load %arg11[%swap3A_195, %swap3A_196] : memref<65x65xf32, #tpu.memory_space<vmem>>, vector<8x8xf32>
      tpu.vector_store %arg11[%swap3A_195, %swap3A_196], %mul3A_194 {strides = array<i32>} : memref<65x65xf32, #tpu.memory_space<vmem>>, vector<8x8xf32>,
      %slice3A_198 = vector.extract_strided_slice %get3A_15 {offsets = [0, 85], sizes = [8, 1], strides = [1, 1]} : vector<8x176xf32> to vector<8x1xf32>
      %mul3A_199 = vector.broadcast %slice3A_198 : vector<8x1xf32> to vector<8x8xf32>
      %mul3A_200 = arith.mulf %mul3A_199, %convert_element_type3A_26 : vector<8x8xf32>
      %swap3A_201 = arith.constant 0 : index
      %swap3A_202 = arith.constant 40 : index
      %swap3A_203 = vector.load %arg11[%swap3A_201, %swap3A_202] : memref<65x65xf32, #tpu.memory_space<vmem>>, vector<8x8xf32>
      tpu.vector_store %arg11[%swap3A_201, %swap3A_202], %mul3A_200 {strides = array<i32>} : memref<65x65xf32, #tpu.memory_space<vmem>>, vector<8x8xf32>,
      %slice3A_204 = vector.extract_strided_slice %get3A_15 {offsets = [0, 86], sizes = [8, 1], strides = [1, 1]} : vector<8x176xf32> to vector<8x1xf32>
      %mul3A_205 = vector.broadcast %slice3A_204 : vector<8x1xf32> to vector<8x8xf32>
      %mul3A_206 = arith.mulf %mul3A_205, %convert_element_type3A_26 : vector<8x8xf32>
      %swap3A_207 = arith.constant 0 : index
      %swap3A_208 = arith.constant 48 : index
      %swap3A_209 = vector.load %arg11[%swap3A_207, %swap3A_208] : memref<65x65xf32, #tpu.memory_space<vmem>>, vector<8x8xf32>
      tpu.vector_store %arg11[%swap3A_207, %swap3A_208], %mul3A_206 {strides = array<i32>} : memref<65x65xf32, #tpu.memory_space<vmem>>, vector<8x8xf32>,
      %slice3A_210 = vector.extract_strided_slice %get3A_15 {offsets = [0, 87], sizes = [8, 1], strides = [1, 1]} : vector<8x176xf32> to vector<8x1xf32>
      %mul3A_211 = vector.broadcast %slice3A_210 : vector<8x1xf32> to vector<8x8xf32>
      %mul3A_212 = arith.mulf %mul3A_211, %convert_element_type3A_26 : vector<8x8xf32>
      %swap3A_213 = arith.constant 0 : index
      %swap3A_214 = arith.constant 56 : index
      %swap3A_215 = vector.load %arg11[%swap3A_213, %swap3A_214] : memref<65x65xf32, #tpu.memory_space<vmem>>, vector<8x8xf32>
      tpu.vector_store %arg11[%swap3A_213, %swap3A_214], %mul3A_212 {strides = array<i32>} : memref<65x65xf32, #tpu.memory_space<vmem>>, vector<8x8xf32>,
      %slice3A_216 = vector.extract_strided_slice %get3A_15 {offsets = [0, 160], sizes = [8, 1], strides = [1, 1]} : vector<8x176xf32> to vector<8x1xf32>
      %swap3A_217 = arith.constant 0 : index
      %swap3A_218 = arith.constant 64 : index
      %swap3A_219 = vector.load %arg11[%swap3A_217, %swap3A_218] : memref<65x65xf32, #tpu.memory_space<vmem>>, vector<8x1xf32>
      tpu.vector_store %arg11[%swap3A_217, %swap3A_218], %slice3A_216 {strides = array<i32>} : memref<65x65xf32, #tpu.memory_space<vmem>>, vector<8x1xf32>,
      %slice3A_220 = vector.extract_strided_slice %get3A_15 {offsets = [0, 88], sizes = [8, 1], strides = [1, 1]} : vector<8x176xf32> to vector<8x1xf32>
      %mul3A_221 = vector.broadcast %slice3A_220 : vector<8x1xf32> to vector<8x8xf32>
      %mul3A_222 = arith.mulf %mul3A_221, %convert_element_type3A_26 : vector<8x8xf32>
      %swap3A_223 = arith.constant 8 : index
      %swap3A_224 = arith.constant 0 : index
      %swap3A_225 = vector.load %arg11[%swap3A_223, %swap3A_224] : memref<65x65xf32, #tpu.memory_space<vmem>>, vector<8x8xf32>
      tpu.vector_store %arg11[%swap3A_223, %swap3A_224], %mul3A_222 {strides = array<i32>} : memref<65x65xf32, #tpu.memory_space<vmem>>, vector<8x8xf32>,
      %slice3A_226 = vector.extract_strided_slice %get3A_15 {offsets = [0, 89], sizes = [8, 1], strides = [1, 1]} : vector<8x176xf32> to vector<8x1xf32>
      %mul3A_227 = vector.broadcast %slice3A_226 : vector<8x1xf32> to vector<8x8xf32>
      %mul3A_228 = arith.mulf %mul3A_227, %convert_element_type3A_26 : vector<8x8xf32>
      %swap3A_229 = arith.constant 8 : index
      %swap3A_230 = arith.constant 8 : index
      %swap3A_231 = vector.load %arg11[%swap3A_229, %swap3A_230] : memref<65x65xf32, #tpu.memory_space<vmem>>, vector<8x8xf32>
      tpu.vector_store %arg11[%swap3A_229, %swap3A_230], %mul3A_228 {strides = array<i32>} : memref<65x65xf32, #tpu.memory_space<vmem>>, vector<8x8xf32>,
      %slice3A_232 = vector.extract_strided_slice %get3A_15 {offsets = [0, 90], sizes = [8, 1], strides = [1, 1]} : vector<8x176xf32> to vector<8x1xf32>
      %mul3A_233 = vector.broadcast %slice3A_232 : vector<8x1xf32> to vector<8x8xf32>
      %mul3A_234 = arith.mulf %mul3A_233, %convert_element_type3A_26 : vector<8x8xf32>
      %swap3A_235 = arith.constant 8 : index
      %swap3A_236 = arith.constant 16 : index
      %swap3A_237 = vector.load %arg11[%swap3A_235, %swap3A_236] : memref<65x65xf32, #tpu.memory_space<vmem>>, vector<8x8xf32>
      tpu.vector_store %arg11[%swap3A_235, %swap3A_236], %mul3A_234 {strides = array<i32>} : memref<65x65xf32, #tpu.memory_space<vmem>>, vector<8x8xf32>,
      %slice3A_238 = vector.extract_strided_slice %get3A_15 {offsets = [0, 91], sizes = [8, 1], strides = [1, 1]} : vector<8x176xf32> to vector<8x1xf32>
      %mul3A_239 = vector.broadcast %slice3A_238 : vector<8x1xf32> to vector<8x8xf32>
      %mul3A_240 = arith.mulf %mul3A_239, %convert_element_type3A_26 : vector<8x8xf32>
      %swap3A_241 = arith.constant 8 : index
      %swap3A_242 = arith.constant 24 : index
      %swap3A_243 = vector.load %arg11[%swap3A_241, %swap3A_242] : memref<65x65xf32, #tpu.memory_space<vmem>>, vector<8x8xf32>
      tpu.vector_store %arg11[%swap3A_241, %swap3A_242], %mul3A_240 {strides = array<i32>} : memref<65x65xf32, #tpu.memory_space<vmem>>, vector<8x8xf32>,
      %slice3A_244 = vector.extract_strided_slice %get3A_15 {offsets = [0, 92], sizes = [8, 1], strides = [1, 1]} : vector<8x176xf32> to vector<8x1xf32>
      %mul3A_245 = vector.broadcast %slice3A_244 : vector<8x1xf32> to vector<8x8xf32>
      %mul3A_246 = arith.mulf %mul3A_245, %convert_element_type3A_26 : vector<8x8xf32>
      %swap3A_247 = arith.constant 8 : index
      %swap3A_248 = arith.constant 32 : index
      %swap3A_249 = vector.load %arg11[%swap3A_247, %swap3A_248] : memref<65x65xf32, #tpu.memory_space<vmem>>, vector<8x8xf32>
      tpu.vector_store %arg11[%swap3A_247, %swap3A_248], %mul3A_246 {strides = array<i32>} : memref<65x65xf32, #tpu.memory_space<vmem>>, vector<8x8xf32>,
      %slice3A_250 = vector.extract_strided_slice %get3A_15 {offsets = [0, 93], sizes = [8, 1], strides = [1, 1]} : vector<8x176xf32> to vector<8x1xf32>
      %mul3A_251 = vector.broadcast %slice3A_250 : vector<8x1xf32> to vector<8x8xf32>
      %mul3A_252 = arith.mulf %mul3A_251, %convert_element_type3A_26 : vector<8x8xf32>
      %swap3A_253 = arith.constant 8 : index
      %swap3A_254 = arith.constant 40 : index
      %swap3A_255 = vector.load %arg11[%swap3A_253, %swap3A_254] : memref<65x65xf32, #tpu.memory_space<vmem>>, vector<8x8xf32>
      tpu.vector_store %arg11[%swap3A_253, %swap3A_254], %mul3A_252 {strides = array<i32>} : memref<65x65xf32, #tpu.memory_space<vmem>>, vector<8x8xf32>,
      %slice3A_256 = vector.extract_strided_slice %get3A_15 {offsets = [0, 94], sizes = [8, 1], strides = [1, 1]} : vector<8x176xf32> to vector<8x1xf32>
      %mul3A_257 = vector.broadcast %slice3A_256 : vector<8x1xf32> to vector<8x8xf32>
      %mul3A_258 = arith.mulf %mul3A_257, %convert_element_type3A_26 : vector<8x8xf32>
      %swap3A_259 = arith.constant 8 : index
      %swap3A_260 = arith.constant 48 : index
      %swap3A_261 = vector.load %arg11[%swap3A_259, %swap3A_260] : memref<65x65xf32, #tpu.memory_space<vmem>>, vector<8x8xf32>
      tpu.vector_store %arg11[%swap3A_259, %swap3A_260], %mul3A_258 {strides = array<i32>} : memref<65x65xf32, #tpu.memory_space<vmem>>, vector<8x8xf32>,
      %slice3A_262 = vector.extract_strided_slice %get3A_15 {offsets = [0, 95], sizes = [8, 1], strides = [1, 1]} : vector<8x176xf32> to vector<8x1xf32>
      %mul3A_263 = vector.broadcast %slice3A_262 : vector<8x1xf32> to vector<8x8xf32>
      %mul3A_264 = arith.mulf %mul3A_263, %convert_element_type3A_26 : vector<8x8xf32>
      %swap3A_265 = arith.constant 8 : index
      %swap3A_266 = arith.constant 56 : index
      %swap3A_267 = vector.load %arg11[%swap3A_265, %swap3A_266] : memref<65x65xf32, #tpu.memory_space<vmem>>, vector<8x8xf32>
      tpu.vector_store %arg11[%swap3A_265, %swap3A_266], %mul3A_264 {strides = array<i32>} : memref<65x65xf32, #tpu.memory_space<vmem>>, vector<8x8xf32>,
      %slice3A_268 = vector.extract_strided_slice %get3A_15 {offsets = [0, 161], sizes = [8, 1], strides = [1, 1]} : vector<8x176xf32> to vector<8x1xf32>
      %swap3A_269 = arith.constant 8 : index
      %swap3A_270 = arith.constant 64 : index
      %swap3A_271 = vector.load %arg11[%swap3A_269, %swap3A_270] : memref<65x65xf32, #tpu.memory_space<vmem>>, vector<8x1xf32>
      tpu.vector_store %arg11[%swap3A_269, %swap3A_270], %slice3A_268 {strides = array<i32>} : memref<65x65xf32, #tpu.memory_space<vmem>>, vector<8x1xf32>,
      %slice3A_272 = vector.extract_strided_slice %get3A_15 {offsets = [0, 96], sizes = [8, 1], strides = [1, 1]} : vector<8x176xf32> to vector<8x1xf32>
      %mul3A_273 = vector.broadcast %slice3A_272 : vector<8x1xf32> to vector<8x8xf32>
      %mul3A_274 = arith.mulf %mul3A_273, %convert_element_type3A_26 : vector<8x8xf32>
      %swap3A_275 = arith.constant 16 : index
      %swap3A_276 = arith.constant 0 : index
      %swap3A_277 = vector.load %arg11[%swap3A_275, %swap3A_276] : memref<65x65xf32, #tpu.memory_space<vmem>>, vector<8x8xf32>
      tpu.vector_store %arg11[%swap3A_275, %swap3A_276], %mul3A_274 {strides = array<i32>} : memref<65x65xf32, #tpu.memory_space<vmem>>, vector<8x8xf32>,
      %slice3A_278 = vector.extract_strided_slice %get3A_15 {offsets = [0, 97], sizes = [8, 1], strides = [1, 1]} : vector<8x176xf32> to vector<8x1xf32>
      %mul3A_279 = vector.broadcast %slice3A_278 : vector<8x1xf32> to vector<8x8xf32>
      %mul3A_280 = arith.mulf %mul3A_279, %convert_element_type3A_26 : vector<8x8xf32>
      %swap3A_281 = arith.constant 16 : index
      %swap3A_282 = arith.constant 8 : index
      %swap3A_283 = vector.load %arg11[%swap3A_281, %swap3A_282] : memref<65x65xf32, #tpu.memory_space<vmem>>, vector<8x8xf32>
      tpu.vector_store %arg11[%swap3A_281, %swap3A_282], %mul3A_280 {strides = array<i32>} : memref<65x65xf32, #tpu.memory_space<vmem>>, vector<8x8xf32>,
      %slice3A_284 = vector.extract_strided_slice %get3A_15 {offsets = [0, 98], sizes = [8, 1], strides = [1, 1]} : vector<8x176xf32> to vector<8x1xf32>
      %mul3A_285 = vector.broadcast %slice3A_284 : vector<8x1xf32> to vector<8x8xf32>
      %mul3A_286 = arith.mulf %mul3A_285, %convert_element_type3A_26 : vector<8x8xf32>
      %swap3A_287 = arith.constant 16 : index
      %swap3A_288 = arith.constant 16 : index
      %swap3A_289 = vector.load %arg11[%swap3A_287, %swap3A_288] : memref<65x65xf32, #tpu.memory_space<vmem>>, vector<8x8xf32>
      tpu.vector_store %arg11[%swap3A_287, %swap3A_288], %mul3A_286 {strides = array<i32>} : memref<65x65xf32, #tpu.memory_space<vmem>>, vector<8x8xf32>,
      %slice3A_290 = vector.extract_strided_slice %get3A_15 {offsets = [0, 99], sizes = [8, 1], strides = [1, 1]} : vector<8x176xf32> to vector<8x1xf32>
      %mul3A_291 = vector.broadcast %slice3A_290 : vector<8x1xf32> to vector<8x8xf32>
      %mul3A_292 = arith.mulf %mul3A_291, %convert_element_type3A_26 : vector<8x8xf32>
      %swap3A_293 = arith.constant 16 : index
      %swap3A_294 = arith.constant 24 : index
      %swap3A_295 = vector.load %arg11[%swap3A_293, %swap3A_294] : memref<65x65xf32, #tpu.memory_space<vmem>>, vector<8x8xf32>
      tpu.vector_store %arg11[%swap3A_293, %swap3A_294], %mul3A_292 {strides = array<i32>} : memref<65x65xf32, #tpu.memory_space<vmem>>, vector<8x8xf32>,
      %slice3A_296 = vector.extract_strided_slice %get3A_15 {offsets = [0, 100], sizes = [8, 1], strides = [1, 1]} : vector<8x176xf32> to vector<8x1xf32>
      %mul3A_297 = vector.broadcast %slice3A_296 : vector<8x1xf32> to vector<8x8xf32>
      %mul3A_298 = arith.mulf %mul3A_297, %convert_element_type3A_26 : vector<8x8xf32>
      %swap3A_299 = arith.constant 16 : index
      %swap3A_300 = arith.constant 32 : index
      %swap3A_301 = vector.load %arg11[%swap3A_299, %swap3A_300] : memref<65x65xf32, #tpu.memory_space<vmem>>, vector<8x8xf32>
      tpu.vector_store %arg11[%swap3A_299, %swap3A_300], %mul3A_298 {strides = array<i32>} : memref<65x65xf32, #tpu.memory_space<vmem>>, vector<8x8xf32>,
      %slice3A_302 = vector.extract_strided_slice %get3A_15 {offsets = [0, 101], sizes = [8, 1], strides = [1, 1]} : vector<8x176xf32> to vector<8x1xf32>
      %mul3A_303 = vector.broadcast %slice3A_302 : vector<8x1xf32> to vector<8x8xf32>
      %mul3A_304 = arith.mulf %mul3A_303, %convert_element_type3A_26 : vector<8x8xf32>
      %swap3A_305 = arith.constant 16 : index
      %swap3A_306 = arith.constant 40 : index
      %swap3A_307 = vector.load %arg11[%swap3A_305, %swap3A_306] : memref<65x65xf32, #tpu.memory_space<vmem>>, vector<8x8xf32>
      tpu.vector_store %arg11[%swap3A_305, %swap3A_306], %mul3A_304 {strides = array<i32>} : memref<65x65xf32, #tpu.memory_space<vmem>>, vector<8x8xf32>,
      %slice3A_308 = vector.extract_strided_slice %get3A_15 {offsets = [0, 102], sizes = [8, 1], strides = [1, 1]} : vector<8x176xf32> to vector<8x1xf32>
      %mul3A_309 = vector.broadcast %slice3A_308 : vector<8x1xf32> to vector<8x8xf32>
      %mul3A_310 = arith.mulf %mul3A_309, %convert_element_type3A_26 : vector<8x8xf32>
      %swap3A_311 = arith.constant 16 : index
      %swap3A_312 = arith.constant 48 : index
      %swap3A_313 = vector.load %arg11[%swap3A_311, %swap3A_312] : memref<65x65xf32, #tpu.memory_space<vmem>>, vector<8x8xf32>
      tpu.vector_store %arg11[%swap3A_311, %swap3A_312], %mul3A_310 {strides = array<i32>} : memref<65x65xf32, #tpu.memory_space<vmem>>, vector<8x8xf32>,
      %slice3A_314 = vector.extract_strided_slice %get3A_15 {offsets = [0, 103], sizes = [8, 1], strides = [1, 1]} : vector<8x176xf32> to vector<8x1xf32>
      %mul3A_315 = vector.broadcast %slice3A_314 : vector<8x1xf32> to vector<8x8xf32>
      %mul3A_316 = arith.mulf %mul3A_315, %convert_element_type3A_26 : vector<8x8xf32>
      %swap3A_317 = arith.constant 16 : index
      %swap3A_318 = arith.constant 56 : index
      %swap3A_319 = vector.load %arg11[%swap3A_317, %swap3A_318] : memref<65x65xf32, #tpu.memory_space<vmem>>, vector<8x8xf32>
      tpu.vector_store %arg11[%swap3A_317, %swap3A_318], %mul3A_316 {strides = array<i32>} : memref<65x65xf32, #tpu.memory_space<vmem>>, vector<8x8xf32>,
      %slice3A_320 = vector.extract_strided_slice %get3A_15 {offsets = [0, 162], sizes = [8, 1], strides = [1, 1]} : vector<8x176xf32> to vector<8x1xf32>
      %swap3A_321 = arith.constant 16 : index
      %swap3A_322 = arith.constant 64 : index
      %swap3A_323 = vector.load %arg11[%swap3A_321, %swap3A_322] : memref<65x65xf32, #tpu.memory_space<vmem>>, vector<8x1xf32>
      tpu.vector_store %arg11[%swap3A_321, %swap3A_322], %slice3A_320 {strides = array<i32>} : memref<65x65xf32, #tpu.memory_space<vmem>>, vector<8x1xf32>,
      %slice3A_324 = vector.extract_strided_slice %get3A_15 {offsets = [0, 104], sizes = [8, 1], strides = [1, 1]} : vector<8x176xf32> to vector<8x1xf32>
      %mul3A_325 = vector.broadcast %slice3A_324 : vector<8x1xf32> to vector<8x8xf32>
      %mul3A_326 = arith.mulf %mul3A_325, %convert_element_type3A_26 : vector<8x8xf32>
      %swap3A_327 = arith.constant 24 : index
      %swap3A_328 = arith.constant 0 : index
      %swap3A_329 = vector.load %arg11[%swap3A_327, %swap3A_328] : memref<65x65xf32, #tpu.memory_space<vmem>>, vector<8x8xf32>
      tpu.vector_store %arg11[%swap3A_327, %swap3A_328], %mul3A_326 {strides = array<i32>} : memref<65x65xf32, #tpu.memory_space<vmem>>, vector<8x8xf32>,
      %slice3A_330 = vector.extract_strided_slice %get3A_15 {offsets = [0, 105], sizes = [8, 1], strides = [1, 1]} : vector<8x176xf32> to vector<8x1xf32>
      %mul3A_331 = vector.broadcast %slice3A_330 : vector<8x1xf32> to vector<8x8xf32>
      %mul3A_332 = arith.mulf %mul3A_331, %convert_element_type3A_26 : vector<8x8xf32>
      %swap3A_333 = arith.constant 24 : index
      %swap3A_334 = arith.constant 8 : index
      %swap3A_335 = vector.load %arg11[%swap3A_333, %swap3A_334] : memref<65x65xf32, #tpu.memory_space<vmem>>, vector<8x8xf32>
      tpu.vector_store %arg11[%swap3A_333, %swap3A_334], %mul3A_332 {strides = array<i32>} : memref<65x65xf32, #tpu.memory_space<vmem>>, vector<8x8xf32>,
      %slice3A_336 = vector.extract_strided_slice %get3A_15 {offsets = [0, 106], sizes = [8, 1], strides = [1, 1]} : vector<8x176xf32> to vector<8x1xf32>
      %mul3A_337 = vector.broadcast %slice3A_336 : vector<8x1xf32> to vector<8x8xf32>
      %mul3A_338 = arith.mulf %mul3A_337, %convert_element_type3A_26 : vector<8x8xf32>
      %swap3A_339 = arith.constant 24 : index
      %swap3A_340 = arith.constant 16 : index
      %swap3A_341 = vector.load %arg11[%swap3A_339, %swap3A_340] : memref<65x65xf32, #tpu.memory_space<vmem>>, vector<8x8xf32>
      tpu.vector_store %arg11[%swap3A_339, %swap3A_340], %mul3A_338 {strides = array<i32>} : memref<65x65xf32, #tpu.memory_space<vmem>>, vector<8x8xf32>,
      %slice3A_342 = vector.extract_strided_slice %get3A_15 {offsets = [0, 107], sizes = [8, 1], strides = [1, 1]} : vector<8x176xf32> to vector<8x1xf32>
      %mul3A_343 = vector.broadcast %slice3A_342 : vector<8x1xf32> to vector<8x8xf32>
      %mul3A_344 = arith.mulf %mul3A_343, %convert_element_type3A_26 : vector<8x8xf32>
      %swap3A_345 = arith.constant 24 : index
      %swap3A_346 = arith.constant 24 : index
      %swap3A_347 = vector.load %arg11[%swap3A_345, %swap3A_346] : memref<65x65xf32, #tpu.memory_space<vmem>>, vector<8x8xf32>
      tpu.vector_store %arg11[%swap3A_345, %swap3A_346], %mul3A_344 {strides = array<i32>} : memref<65x65xf32, #tpu.memory_space<vmem>>, vector<8x8xf32>,
      %slice3A_348 = vector.extract_strided_slice %get3A_15 {offsets = [0, 108], sizes = [8, 1], strides = [1, 1]} : vector<8x176xf32> to vector<8x1xf32>
      %mul3A_349 = vector.broadcast %slice3A_348 : vector<8x1xf32> to vector<8x8xf32>
      %mul3A_350 = arith.mulf %mul3A_349, %convert_element_type3A_26 : vector<8x8xf32>
      %swap3A_351 = arith.constant 24 : index
      %swap3A_352 = arith.constant 32 : index
      %swap3A_353 = vector.load %arg11[%swap3A_351, %swap3A_352] : memref<65x65xf32, #tpu.memory_space<vmem>>, vector<8x8xf32>
      tpu.vector_store %arg11[%swap3A_351, %swap3A_352], %mul3A_350 {strides = array<i32>} : memref<65x65xf32, #tpu.memory_space<vmem>>, vector<8x8xf32>,
      %slice3A_354 = vector.extract_strided_slice %get3A_15 {offsets = [0, 109], sizes = [8, 1], strides = [1, 1]} : vector<8x176xf32> to vector<8x1xf32>
      %mul3A_355 = vector.broadcast %slice3A_354 : vector<8x1xf32> to vector<8x8xf32>
      %mul3A_356 = arith.mulf %mul3A_355, %convert_element_type3A_26 : vector<8x8xf32>
      %swap3A_357 = arith.constant 24 : index
      %swap3A_358 = arith.constant 40 : index
      %swap3A_359 = vector.load %arg11[%swap3A_357, %swap3A_358] : memref<65x65xf32, #tpu.memory_space<vmem>>, vector<8x8xf32>
      tpu.vector_store %arg11[%swap3A_357, %swap3A_358], %mul3A_356 {strides = array<i32>} : memref<65x65xf32, #tpu.memory_space<vmem>>, vector<8x8xf32>,
      %slice3A_360 = vector.extract_strided_slice %get3A_15 {offsets = [0, 110], sizes = [8, 1], strides = [1, 1]} : vector<8x176xf32> to vector<8x1xf32>
      %mul3A_361 = vector.broadcast %slice3A_360 : vector<8x1xf32> to vector<8x8xf32>
      %mul3A_362 = arith.mulf %mul3A_361, %convert_element_type3A_26 : vector<8x8xf32>
      %swap3A_363 = arith.constant 24 : index
      %swap3A_364 = arith.constant 48 : index
      %swap3A_365 = vector.load %arg11[%swap3A_363, %swap3A_364] : memref<65x65xf32, #tpu.memory_space<vmem>>, vector<8x8xf32>
      tpu.vector_store %arg11[%swap3A_363, %swap3A_364], %mul3A_362 {strides = array<i32>} : memref<65x65xf32, #tpu.memory_space<vmem>>, vector<8x8xf32>,
      %slice3A_366 = vector.extract_strided_slice %get3A_15 {offsets = [0, 111], sizes = [8, 1], strides = [1, 1]} : vector<8x176xf32> to vector<8x1xf32>
      %mul3A_367 = vector.broadcast %slice3A_366 : vector<8x1xf32> to vector<8x8xf32>
      %mul3A_368 = arith.mulf %mul3A_367, %convert_element_type3A_26 : vector<8x8xf32>
      %swap3A_369 = arith.constant 24 : index
      %swap3A_370 = arith.constant 56 : index
      %swap3A_371 = vector.load %arg11[%swap3A_369, %swap3A_370] : memref<65x65xf32, #tpu.memory_space<vmem>>, vector<8x8xf32>
      tpu.vector_store %arg11[%swap3A_369, %swap3A_370], %mul3A_368 {strides = array<i32>} : memref<65x65xf32, #tpu.memory_space<vmem>>, vector<8x8xf32>,
      %slice3A_372 = vector.extract_strided_slice %get3A_15 {offsets = [0, 163], sizes = [8, 1], strides = [1, 1]} : vector<8x176xf32> to vector<8x1xf32>
      %swap3A_373 = arith.constant 24 : index
      %swap3A_374 = arith.constant 64 : index
      %swap3A_375 = vector.load %arg11[%swap3A_373, %swap3A_374] : memref<65x65xf32, #tpu.memory_space<vmem>>, vector<8x1xf32>
      tpu.vector_store %arg11[%swap3A_373, %swap3A_374], %slice3A_372 {strides = array<i32>} : memref<65x65xf32, #tpu.memory_space<vmem>>, vector<8x1xf32>,
      %slice3A_376 = vector.extract_strided_slice %get3A_15 {offsets = [0, 112], sizes = [8, 1], strides = [1, 1]} : vector<8x176xf32> to vector<8x1xf32>
      %mul3A_377 = vector.broadcast %slice3A_376 : vector<8x1xf32> to vector<8x8xf32>
      %mul3A_378 = arith.mulf %mul3A_377, %convert_element_type3A_26 : vector<8x8xf32>
      %swap3A_379 = arith.constant 32 : index
      %swap3A_380 = arith.constant 0 : index
      %swap3A_381 = vector.load %arg11[%swap3A_379, %swap3A_380] : memref<65x65xf32, #tpu.memory_space<vmem>>, vector<8x8xf32>
      tpu.vector_store %arg11[%swap3A_379, %swap3A_380], %mul3A_378 {strides = array<i32>} : memref<65x65xf32, #tpu.memory_space<vmem>>, vector<8x8xf32>,
      %slice3A_382 = vector.extract_strided_slice %get3A_15 {offsets = [0, 113], sizes = [8, 1], strides = [1, 1]} : vector<8x176xf32> to vector<8x1xf32>
      %mul3A_383 = vector.broadcast %slice3A_382 : vector<8x1xf32> to vector<8x8xf32>
      %mul3A_384 = arith.mulf %mul3A_383, %convert_element_type3A_26 : vector<8x8xf32>
      %swap3A_385 = arith.constant 32 : index
      %swap3A_386 = arith.constant 8 : index
      %swap3A_387 = vector.load %arg11[%swap3A_385, %swap3A_386] : memref<65x65xf32, #tpu.memory_space<vmem>>, vector<8x8xf32>
      tpu.vector_store %arg11[%swap3A_385, %swap3A_386], %mul3A_384 {strides = array<i32>} : memref<65x65xf32, #tpu.memory_space<vmem>>, vector<8x8xf32>,
      %slice3A_388 = vector.extract_strided_slice %get3A_15 {offsets = [0, 114], sizes = [8, 1], strides = [1, 1]} : vector<8x176xf32> to vector<8x1xf32>
      %mul3A_389 = vector.broadcast %slice3A_388 : vector<8x1xf32> to vector<8x8xf32>
      %mul3A_390 = arith.mulf %mul3A_389, %convert_element_type3A_26 : vector<8x8xf32>
      %swap3A_391 = arith.constant 32 : index
      %swap3A_392 = arith.constant 16 : index
      %swap3A_393 = vector.load %arg11[%swap3A_391, %swap3A_392] : memref<65x65xf32, #tpu.memory_space<vmem>>, vector<8x8xf32>
      tpu.vector_store %arg11[%swap3A_391, %swap3A_392], %mul3A_390 {strides = array<i32>} : memref<65x65xf32, #tpu.memory_space<vmem>>, vector<8x8xf32>,
      %slice3A_394 = vector.extract_strided_slice %get3A_15 {offsets = [0, 115], sizes = [8, 1], strides = [1, 1]} : vector<8x176xf32> to vector<8x1xf32>
      %mul3A_395 = vector.broadcast %slice3A_394 : vector<8x1xf32> to vector<8x8xf32>
      %mul3A_396 = arith.mulf %mul3A_395, %convert_element_type3A_26 : vector<8x8xf32>
      %swap3A_397 = arith.constant 32 : index
      %swap3A_398 = arith.constant 24 : index
      %swap3A_399 = vector.load %arg11[%swap3A_397, %swap3A_398] : memref<65x65xf32, #tpu.memory_space<vmem>>, vector<8x8xf32>
      tpu.vector_store %arg11[%swap3A_397, %swap3A_398], %mul3A_396 {strides = array<i32>} : memref<65x65xf32, #tpu.memory_space<vmem>>, vector<8x8xf32>,
      %slice3A_400 = vector.extract_strided_slice %get3A_15 {offsets = [0, 116], sizes = [8, 1], strides = [1, 1]} : vector<8x176xf32> to vector<8x1xf32>
      %mul3A_401 = vector.broadcast %slice3A_400 : vector<8x1xf32> to vector<8x8xf32>
      %mul3A_402 = arith.mulf %mul3A_401, %convert_element_type3A_26 : vector<8x8xf32>
      %swap3A_403 = arith.constant 32 : index
      %swap3A_404 = arith.constant 32 : index
      %swap3A_405 = vector.load %arg11[%swap3A_403, %swap3A_404] : memref<65x65xf32, #tpu.memory_space<vmem>>, vector<8x8xf32>
      tpu.vector_store %arg11[%swap3A_403, %swap3A_404], %mul3A_402 {strides = array<i32>} : memref<65x65xf32, #tpu.memory_space<vmem>>, vector<8x8xf32>,
      %slice3A_406 = vector.extract_strided_slice %get3A_15 {offsets = [0, 117], sizes = [8, 1], strides = [1, 1]} : vector<8x176xf32> to vector<8x1xf32>
      %mul3A_407 = vector.broadcast %slice3A_406 : vector<8x1xf32> to vector<8x8xf32>
      %mul3A_408 = arith.mulf %mul3A_407, %convert_element_type3A_26 : vector<8x8xf32>
      %swap3A_409 = arith.constant 32 : index
      %swap3A_410 = arith.constant 40 : index
      %swap3A_411 = vector.load %arg11[%swap3A_409, %swap3A_410] : memref<65x65xf32, #tpu.memory_space<vmem>>, vector<8x8xf32>
      tpu.vector_store %arg11[%swap3A_409, %swap3A_410], %mul3A_408 {strides = array<i32>} : memref<65x65xf32, #tpu.memory_space<vmem>>, vector<8x8xf32>,
      %slice3A_412 = vector.extract_strided_slice %get3A_15 {offsets = [0, 118], sizes = [8, 1], strides = [1, 1]} : vector<8x176xf32> to vector<8x1xf32>
      %mul3A_413 = vector.broadcast %slice3A_412 : vector<8x1xf32> to vector<8x8xf32>
      %mul3A_414 = arith.mulf %mul3A_413, %convert_element_type3A_26 : vector<8x8xf32>
      %swap3A_415 = arith.constant 32 : index
      %swap3A_416 = arith.constant 48 : index
      %swap3A_417 = vector.load %arg11[%swap3A_415, %swap3A_416] : memref<65x65xf32, #tpu.memory_space<vmem>>, vector<8x8xf32>
      tpu.vector_store %arg11[%swap3A_415, %swap3A_416], %mul3A_414 {strides = array<i32>} : memref<65x65xf32, #tpu.memory_space<vmem>>, vector<8x8xf32>,
      %slice3A_418 = vector.extract_strided_slice %get3A_15 {offsets = [0, 119], sizes = [8, 1], strides = [1, 1]} : vector<8x176xf32> to vector<8x1xf32>
      %mul3A_419 = vector.broadcast %slice3A_418 : vector<8x1xf32> to vector<8x8xf32>
      %mul3A_420 = arith.mulf %mul3A_419, %convert_element_type3A_26 : vector<8x8xf32>
      %swap3A_421 = arith.constant 32 : index
      %swap3A_422 = arith.constant 56 : index
      %swap3A_423 = vector.load %arg11[%swap3A_421, %swap3A_422] : memref<65x65xf32, #tpu.memory_space<vmem>>, vector<8x8xf32>
      tpu.vector_store %arg11[%swap3A_421, %swap3A_422], %mul3A_420 {strides = array<i32>} : memref<65x65xf32, #tpu.memory_space<vmem>>, vector<8x8xf32>,
      %slice3A_424 = vector.extract_strided_slice %get3A_15 {offsets = [0, 164], sizes = [8, 1], strides = [1, 1]} : vector<8x176xf32> to vector<8x1xf32>
      %swap3A_425 = arith.constant 32 : index
      %swap3A_426 = arith.constant 64 : index
      %swap3A_427 = vector.load %arg11[%swap3A_425, %swap3A_426] : memref<65x65xf32, #tpu.memory_space<vmem>>, vector<8x1xf32>
      tpu.vector_store %arg11[%swap3A_425, %swap3A_426], %slice3A_424 {strides = array<i32>} : memref<65x65xf32, #tpu.memory_space<vmem>>, vector<8x1xf32>,
      %slice3A_428 = vector.extract_strided_slice %get3A_15 {offsets = [0, 120], sizes = [8, 1], strides = [1, 1]} : vector<8x176xf32> to vector<8x1xf32>
      %mul3A_429 = vector.broadcast %slice3A_428 : vector<8x1xf32> to vector<8x8xf32>
      %mul3A_430 = arith.mulf %mul3A_429, %convert_element_type3A_26 : vector<8x8xf32>
      %swap3A_431 = arith.constant 40 : index
      %swap3A_432 = arith.constant 0 : index
      %swap3A_433 = vector.load %arg11[%swap3A_431, %swap3A_432] : memref<65x65xf32, #tpu.memory_space<vmem>>, vector<8x8xf32>
      tpu.vector_store %arg11[%swap3A_431, %swap3A_432], %mul3A_430 {strides = array<i32>} : memref<65x65xf32, #tpu.memory_space<vmem>>, vector<8x8xf32>,
      %slice3A_434 = vector.extract_strided_slice %get3A_15 {offsets = [0, 121], sizes = [8, 1], strides = [1, 1]} : vector<8x176xf32> to vector<8x1xf32>
      %mul3A_435 = vector.broadcast %slice3A_434 : vector<8x1xf32> to vector<8x8xf32>
      %mul3A_436 = arith.mulf %mul3A_435, %convert_element_type3A_26 : vector<8x8xf32>
      %swap3A_437 = arith.constant 40 : index
      %swap3A_438 = arith.constant 8 : index
      %swap3A_439 = vector.load %arg11[%swap3A_437, %swap3A_438] : memref<65x65xf32, #tpu.memory_space<vmem>>, vector<8x8xf32>
      tpu.vector_store %arg11[%swap3A_437, %swap3A_438], %mul3A_436 {strides = array<i32>} : memref<65x65xf32, #tpu.memory_space<vmem>>, vector<8x8xf32>,
      %slice3A_440 = vector.extract_strided_slice %get3A_15 {offsets = [0, 122], sizes = [8, 1], strides = [1, 1]} : vector<8x176xf32> to vector<8x1xf32>
      %mul3A_441 = vector.broadcast %slice3A_440 : vector<8x1xf32> to vector<8x8xf32>
      %mul3A_442 = arith.mulf %mul3A_441, %convert_element_type3A_26 : vector<8x8xf32>
      %swap3A_443 = arith.constant 40 : index
      %swap3A_444 = arith.constant 16 : index
      %swap3A_445 = vector.load %arg11[%swap3A_443, %swap3A_444] : memref<65x65xf32, #tpu.memory_space<vmem>>, vector<8x8xf32>
      tpu.vector_store %arg11[%swap3A_443, %swap3A_444], %mul3A_442 {strides = array<i32>} : memref<65x65xf32, #tpu.memory_space<vmem>>, vector<8x8xf32>,
      %slice3A_446 = vector.extract_strided_slice %get3A_15 {offsets = [0, 123], sizes = [8, 1], strides = [1, 1]} : vector<8x176xf32> to vector<8x1xf32>
      %mul3A_447 = vector.broadcast %slice3A_446 : vector<8x1xf32> to vector<8x8xf32>
      %mul3A_448 = arith.mulf %mul3A_447, %convert_element_type3A_26 : vector<8x8xf32>
      %swap3A_449 = arith.constant 40 : index
      %swap3A_450 = arith.constant 24 : index
      %swap3A_451 = vector.load %arg11[%swap3A_449, %swap3A_450] : memref<65x65xf32, #tpu.memory_space<vmem>>, vector<8x8xf32>
      tpu.vector_store %arg11[%swap3A_449, %swap3A_450], %mul3A_448 {strides = array<i32>} : memref<65x65xf32, #tpu.memory_space<vmem>>, vector<8x8xf32>,
      %slice3A_452 = vector.extract_strided_slice %get3A_15 {offsets = [0, 124], sizes = [8, 1], strides = [1, 1]} : vector<8x176xf32> to vector<8x1xf32>
      %mul3A_453 = vector.broadcast %slice3A_452 : vector<8x1xf32> to vector<8x8xf32>
      %mul3A_454 = arith.mulf %mul3A_453, %convert_element_type3A_26 : vector<8x8xf32>
      %swap3A_455 = arith.constant 40 : index
      %swap3A_456 = arith.constant 32 : index
      %swap3A_457 = vector.load %arg11[%swap3A_455, %swap3A_456] : memref<65x65xf32, #tpu.memory_space<vmem>>, vector<8x8xf32>
      tpu.vector_store %arg11[%swap3A_455, %swap3A_456], %mul3A_454 {strides = array<i32>} : memref<65x65xf32, #tpu.memory_space<vmem>>, vector<8x8xf32>,
      %slice3A_458 = vector.extract_strided_slice %get3A_15 {offsets = [0, 125], sizes = [8, 1], strides = [1, 1]} : vector<8x176xf32> to vector<8x1xf32>
      %mul3A_459 = vector.broadcast %slice3A_458 : vector<8x1xf32> to vector<8x8xf32>
      %mul3A_460 = arith.mulf %mul3A_459, %convert_element_type3A_26 : vector<8x8xf32>
      %swap3A_461 = arith.constant 40 : index
      %swap3A_462 = arith.constant 40 : index
      %swap3A_463 = vector.load %arg11[%swap3A_461, %swap3A_462] : memref<65x65xf32, #tpu.memory_space<vmem>>, vector<8x8xf32>
      tpu.vector_store %arg11[%swap3A_461, %swap3A_462], %mul3A_460 {strides = array<i32>} : memref<65x65xf32, #tpu.memory_space<vmem>>, vector<8x8xf32>,
      %slice3A_464 = vector.extract_strided_slice %get3A_15 {offsets = [0, 126], sizes = [8, 1], strides = [1, 1]} : vector<8x176xf32> to vector<8x1xf32>
      %mul3A_465 = vector.broadcast %slice3A_464 : vector<8x1xf32> to vector<8x8xf32>
      %mul3A_466 = arith.mulf %mul3A_465, %convert_element_type3A_26 : vector<8x8xf32>
      %swap3A_467 = arith.constant 40 : index
      %swap3A_468 = arith.constant 48 : index
      %swap3A_469 = vector.load %arg11[%swap3A_467, %swap3A_468] : memref<65x65xf32, #tpu.memory_space<vmem>>, vector<8x8xf32>
      tpu.vector_store %arg11[%swap3A_467, %swap3A_468], %mul3A_466 {strides = array<i32>} : memref<65x65xf32, #tpu.memory_space<vmem>>, vector<8x8xf32>,
      %slice3A_470 = vector.extract_strided_slice %get3A_15 {offsets = [0, 127], sizes = [8, 1], strides = [1, 1]} : vector<8x176xf32> to vector<8x1xf32>
      %mul3A_471 = vector.broadcast %slice3A_470 : vector<8x1xf32> to vector<8x8xf32>
      %mul3A_472 = arith.mulf %mul3A_471, %convert_element_type3A_26 : vector<8x8xf32>
      %swap3A_473 = arith.constant 40 : index
      %swap3A_474 = arith.constant 56 : index
      %swap3A_475 = vector.load %arg11[%swap3A_473, %swap3A_474] : memref<65x65xf32, #tpu.memory_space<vmem>>, vector<8x8xf32>
      tpu.vector_store %arg11[%swap3A_473, %swap3A_474], %mul3A_472 {strides = array<i32>} : memref<65x65xf32, #tpu.memory_space<vmem>>, vector<8x8xf32>,
      %slice3A_476 = vector.extract_strided_slice %get3A_15 {offsets = [0, 165], sizes = [8, 1], strides = [1, 1]} : vector<8x176xf32> to vector<8x1xf32>
      %swap3A_477 = arith.constant 40 : index
      %swap3A_478 = arith.constant 64 : index
      %swap3A_479 = vector.load %arg11[%swap3A_477, %swap3A_478] : memref<65x65xf32, #tpu.memory_space<vmem>>, vector<8x1xf32>
      tpu.vector_store %arg11[%swap3A_477, %swap3A_478], %slice3A_476 {strides = array<i32>} : memref<65x65xf32, #tpu.memory_space<vmem>>, vector<8x1xf32>,
      %slice3A_480 = vector.extract_strided_slice %get3A_15 {offsets = [0, 128], sizes = [8, 1], strides = [1, 1]} : vector<8x176xf32> to vector<8x1xf32>
      %mul3A_481 = vector.broadcast %slice3A_480 : vector<8x1xf32> to vector<8x8xf32>
      %mul3A_482 = arith.mulf %mul3A_481, %convert_element_type3A_26 : vector<8x8xf32>
      %swap3A_483 = arith.constant 48 : index
      %swap3A_484 = arith.constant 0 : index
      %swap3A_485 = vector.load %arg11[%swap3A_483, %swap3A_484] : memref<65x65xf32, #tpu.memory_space<vmem>>, vector<8x8xf32>
      tpu.vector_store %arg11[%swap3A_483, %swap3A_484], %mul3A_482 {strides = array<i32>} : memref<65x65xf32, #tpu.memory_space<vmem>>, vector<8x8xf32>,
      %slice3A_486 = vector.extract_strided_slice %get3A_15 {offsets = [0, 129], sizes = [8, 1], strides = [1, 1]} : vector<8x176xf32> to vector<8x1xf32>
      %mul3A_487 = vector.broadcast %slice3A_486 : vector<8x1xf32> to vector<8x8xf32>
      %mul3A_488 = arith.mulf %mul3A_487, %convert_element_type3A_26 : vector<8x8xf32>
      %swap3A_489 = arith.constant 48 : index
      %swap3A_490 = arith.constant 8 : index
      %swap3A_491 = vector.load %arg11[%swap3A_489, %swap3A_490] : memref<65x65xf32, #tpu.memory_space<vmem>>, vector<8x8xf32>
      tpu.vector_store %arg11[%swap3A_489, %swap3A_490], %mul3A_488 {strides = array<i32>} : memref<65x65xf32, #tpu.memory_space<vmem>>, vector<8x8xf32>,
      %slice3A_492 = vector.extract_strided_slice %get3A_15 {offsets = [0, 130], sizes = [8, 1], strides = [1, 1]} : vector<8x176xf32> to vector<8x1xf32>
      %mul3A_493 = vector.broadcast %slice3A_492 : vector<8x1xf32> to vector<8x8xf32>
      %mul3A_494 = arith.mulf %mul3A_493, %convert_element_type3A_26 : vector<8x8xf32>
      %swap3A_495 = arith.constant 48 : index
      %swap3A_496 = arith.constant 16 : index
      %swap3A_497 = vector.load %arg11[%swap3A_495, %swap3A_496] : memref<65x65xf32, #tpu.memory_space<vmem>>, vector<8x8xf32>
      tpu.vector_store %arg11[%swap3A_495, %swap3A_496], %mul3A_494 {strides = array<i32>} : memref<65x65xf32, #tpu.memory_space<vmem>>, vector<8x8xf32>,
      %slice3A_498 = vector.extract_strided_slice %get3A_15 {offsets = [0, 131], sizes = [8, 1], strides = [1, 1]} : vector<8x176xf32> to vector<8x1xf32>
      %mul3A_499 = vector.broadcast %slice3A_498 : vector<8x1xf32> to vector<8x8xf32>
      %mul3A_500 = arith.mulf %mul3A_499, %convert_element_type3A_26 : vector<8x8xf32>
      %swap3A_501 = arith.constant 48 : index
      %swap3A_502 = arith.constant 24 : index
      %swap3A_503 = vector.load %arg11[%swap3A_501, %swap3A_502] : memref<65x65xf32, #tpu.memory_space<vmem>>, vector<8x8xf32>
      tpu.vector_store %arg11[%swap3A_501, %swap3A_502], %mul3A_500 {strides = array<i32>} : memref<65x65xf32, #tpu.memory_space<vmem>>, vector<8x8xf32>,
      %slice3A_504 = vector.extract_strided_slice %get3A_15 {offsets = [0, 132], sizes = [8, 1], strides = [1, 1]} : vector<8x176xf32> to vector<8x1xf32>
      %mul3A_505 = vector.broadcast %slice3A_504 : vector<8x1xf32> to vector<8x8xf32>
      %mul3A_506 = arith.mulf %mul3A_505, %convert_element_type3A_26 : vector<8x8xf32>
      %swap3A_507 = arith.constant 48 : index
      %swap3A_508 = arith.constant 32 : index
      %swap3A_509 = vector.load %arg11[%swap3A_507, %swap3A_508] : memref<65x65xf32, #tpu.memory_space<vmem>>, vector<8x8xf32>
      tpu.vector_store %arg11[%swap3A_507, %swap3A_508], %mul3A_506 {strides = array<i32>} : memref<65x65xf32, #tpu.memory_space<vmem>>, vector<8x8xf32>,
      %slice3A_510 = vector.extract_strided_slice %get3A_15 {offsets = [0, 133], sizes = [8, 1], strides = [1, 1]} : vector<8x176xf32> to vector<8x1xf32>
      %mul3A_511 = vector.broadcast %slice3A_510 : vector<8x1xf32> to vector<8x8xf32>
      %mul3A_512 = arith.mulf %mul3A_511, %convert_element_type3A_26 : vector<8x8xf32>
      %swap3A_513 = arith.constant 48 : index
      %swap3A_514 = arith.constant 40 : index
      %swap3A_515 = vector.load %arg11[%swap3A_513, %swap3A_514] : memref<65x65xf32, #tpu.memory_space<vmem>>, vector<8x8xf32>
      tpu.vector_store %arg11[%swap3A_513, %swap3A_514], %mul3A_512 {strides = array<i32>} : memref<65x65xf32, #tpu.memory_space<vmem>>, vector<8x8xf32>,
      %slice3A_516 = vector.extract_strided_slice %get3A_15 {offsets = [0, 134], sizes = [8, 1], strides = [1, 1]} : vector<8x176xf32> to vector<8x1xf32>
      %mul3A_517 = vector.broadcast %slice3A_516 : vector<8x1xf32> to vector<8x8xf32>
      %mul3A_518 = arith.mulf %mul3A_517, %convert_element_type3A_26 : vector<8x8xf32>
      %swap3A_519 = arith.constant 48 : index
      %swap3A_520 = arith.constant 48 : index
      %swap3A_521 = vector.load %arg11[%swap3A_519, %swap3A_520] : memref<65x65xf32, #tpu.memory_space<vmem>>, vector<8x8xf32>
      tpu.vector_store %arg11[%swap3A_519, %swap3A_520], %mul3A_518 {strides = array<i32>} : memref<65x65xf32, #tpu.memory_space<vmem>>, vector<8x8xf32>,
      %slice3A_522 = vector.extract_strided_slice %get3A_15 {offsets = [0, 135], sizes = [8, 1], strides = [1, 1]} : vector<8x176xf32> to vector<8x1xf32>
      %mul3A_523 = vector.broadcast %slice3A_522 : vector<8x1xf32> to vector<8x8xf32>
      %mul3A_524 = arith.mulf %mul3A_523, %convert_element_type3A_26 : vector<8x8xf32>
      %swap3A_525 = arith.constant 48 : index
      %swap3A_526 = arith.constant 56 : index
      %swap3A_527 = vector.load %arg11[%swap3A_525, %swap3A_526] : memref<65x65xf32, #tpu.memory_space<vmem>>, vector<8x8xf32>
      tpu.vector_store %arg11[%swap3A_525, %swap3A_526], %mul3A_524 {strides = array<i32>} : memref<65x65xf32, #tpu.memory_space<vmem>>, vector<8x8xf32>,
      %slice3A_528 = vector.extract_strided_slice %get3A_15 {offsets = [0, 166], sizes = [8, 1], strides = [1, 1]} : vector<8x176xf32> to vector<8x1xf32>
      %swap3A_529 = arith.constant 48 : index
      %swap3A_530 = arith.constant 64 : index
      %swap3A_531 = vector.load %arg11[%swap3A_529, %swap3A_530] : memref<65x65xf32, #tpu.memory_space<vmem>>, vector<8x1xf32>
      tpu.vector_store %arg11[%swap3A_529, %swap3A_530], %slice3A_528 {strides = array<i32>} : memref<65x65xf32, #tpu.memory_space<vmem>>, vector<8x1xf32>,
      %slice3A_532 = vector.extract_strided_slice %get3A_15 {offsets = [0, 136], sizes = [8, 1], strides = [1, 1]} : vector<8x176xf32> to vector<8x1xf32>
      %mul3A_533 = vector.broadcast %slice3A_532 : vector<8x1xf32> to vector<8x8xf32>
      %mul3A_534 = arith.mulf %mul3A_533, %convert_element_type3A_26 : vector<8x8xf32>
      %swap3A_535 = arith.constant 56 : index
      %swap3A_536 = arith.constant 0 : index
      %swap3A_537 = vector.load %arg11[%swap3A_535, %swap3A_536] : memref<65x65xf32, #tpu.memory_space<vmem>>, vector<8x8xf32>
      tpu.vector_store %arg11[%swap3A_535, %swap3A_536], %mul3A_534 {strides = array<i32>} : memref<65x65xf32, #tpu.memory_space<vmem>>, vector<8x8xf32>,
      %slice3A_538 = vector.extract_strided_slice %get3A_15 {offsets = [0, 137], sizes = [8, 1], strides = [1, 1]} : vector<8x176xf32> to vector<8x1xf32>
      %mul3A_539 = vector.broadcast %slice3A_538 : vector<8x1xf32> to vector<8x8xf32>
      %mul3A_540 = arith.mulf %mul3A_539, %convert_element_type3A_26 : vector<8x8xf32>
      %swap3A_541 = arith.constant 56 : index
      %swap3A_542 = arith.constant 8 : index
      %swap3A_543 = vector.load %arg11[%swap3A_541, %swap3A_542] : memref<65x65xf32, #tpu.memory_space<vmem>>, vector<8x8xf32>
      tpu.vector_store %arg11[%swap3A_541, %swap3A_542], %mul3A_540 {strides = array<i32>} : memref<65x65xf32, #tpu.memory_space<vmem>>, vector<8x8xf32>,
      %slice3A_544 = vector.extract_strided_slice %get3A_15 {offsets = [0, 138], sizes = [8, 1], strides = [1, 1]} : vector<8x176xf32> to vector<8x1xf32>
      %mul3A_545 = vector.broadcast %slice3A_544 : vector<8x1xf32> to vector<8x8xf32>
      %mul3A_546 = arith.mulf %mul3A_545, %convert_element_type3A_26 : vector<8x8xf32>
      %swap3A_547 = arith.constant 56 : index
      %swap3A_548 = arith.constant 16 : index
      %swap3A_549 = vector.load %arg11[%swap3A_547, %swap3A_548] : memref<65x65xf32, #tpu.memory_space<vmem>>, vector<8x8xf32>
      tpu.vector_store %arg11[%swap3A_547, %swap3A_548], %mul3A_546 {strides = array<i32>} : memref<65x65xf32, #tpu.memory_space<vmem>>, vector<8x8xf32>,
      %slice3A_550 = vector.extract_strided_slice %get3A_15 {offsets = [0, 139], sizes = [8, 1], strides = [1, 1]} : vector<8x176xf32> to vector<8x1xf32>
      %mul3A_551 = vector.broadcast %slice3A_550 : vector<8x1xf32> to vector<8x8xf32>
      %mul3A_552 = arith.mulf %mul3A_551, %convert_element_type3A_26 : vector<8x8xf32>
      %swap3A_553 = arith.constant 56 : index
      %swap3A_554 = arith.constant 24 : index
      %swap3A_555 = vector.load %arg11[%swap3A_553, %swap3A_554] : memref<65x65xf32, #tpu.memory_space<vmem>>, vector<8x8xf32>
      tpu.vector_store %arg11[%swap3A_553, %swap3A_554], %mul3A_552 {strides = array<i32>} : memref<65x65xf32, #tpu.memory_space<vmem>>, vector<8x8xf32>,
      %slice3A_556 = vector.extract_strided_slice %get3A_15 {offsets = [0, 140], sizes = [8, 1], strides = [1, 1]} : vector<8x176xf32> to vector<8x1xf32>
      %mul3A_557 = vector.broadcast %slice3A_556 : vector<8x1xf32> to vector<8x8xf32>
      %mul3A_558 = arith.mulf %mul3A_557, %convert_element_type3A_26 : vector<8x8xf32>
      %swap3A_559 = arith.constant 56 : index
      %swap3A_560 = arith.constant 32 : index
      %swap3A_561 = vector.load %arg11[%swap3A_559, %swap3A_560] : memref<65x65xf32, #tpu.memory_space<vmem>>, vector<8x8xf32>
      tpu.vector_store %arg11[%swap3A_559, %swap3A_560], %mul3A_558 {strides = array<i32>} : memref<65x65xf32, #tpu.memory_space<vmem>>, vector<8x8xf32>,
      %slice3A_562 = vector.extract_strided_slice %get3A_15 {offsets = [0, 141], sizes = [8, 1], strides = [1, 1]} : vector<8x176xf32> to vector<8x1xf32>
      %mul3A_563 = vector.broadcast %slice3A_562 : vector<8x1xf32> to vector<8x8xf32>
      %mul3A_564 = arith.mulf %mul3A_563, %convert_element_type3A_26 : vector<8x8xf32>
      %swap3A_565 = arith.constant 56 : index
      %swap3A_566 = arith.constant 40 : index
      %swap3A_567 = vector.load %arg11[%swap3A_565, %swap3A_566] : memref<65x65xf32, #tpu.memory_space<vmem>>, vector<8x8xf32>
      tpu.vector_store %arg11[%swap3A_565, %swap3A_566], %mul3A_564 {strides = array<i32>} : memref<65x65xf32, #tpu.memory_space<vmem>>, vector<8x8xf32>,
      %slice3A_568 = vector.extract_strided_slice %get3A_15 {offsets = [0, 142], sizes = [8, 1], strides = [1, 1]} : vector<8x176xf32> to vector<8x1xf32>
      %mul3A_569 = vector.broadcast %slice3A_568 : vector<8x1xf32> to vector<8x8xf32>
      %mul3A_570 = arith.mulf %mul3A_569, %convert_element_type3A_26 : vector<8x8xf32>
      %swap3A_571 = arith.constant 56 : index
      %swap3A_572 = arith.constant 48 : index
      %swap3A_573 = vector.load %arg11[%swap3A_571, %swap3A_572] : memref<65x65xf32, #tpu.memory_space<vmem>>, vector<8x8xf32>
      tpu.vector_store %arg11[%swap3A_571, %swap3A_572], %mul3A_570 {strides = array<i32>} : memref<65x65xf32, #tpu.memory_space<vmem>>, vector<8x8xf32>,
      %slice3A_574 = vector.extract_strided_slice %get3A_15 {offsets = [0, 143], sizes = [8, 1], strides = [1, 1]} : vector<8x176xf32> to vector<8x1xf32>
      %mul3A_575 = vector.broadcast %slice3A_574 : vector<8x1xf32> to vector<8x8xf32>
      %mul3A_576 = arith.mulf %mul3A_575, %convert_element_type3A_26 : vector<8x8xf32>
      %swap3A_577 = arith.constant 56 : index
      %swap3A_578 = arith.constant 56 : index
      %swap3A_579 = vector.load %arg11[%swap3A_577, %swap3A_578] : memref<65x65xf32, #tpu.memory_space<vmem>>, vector<8x8xf32>
      tpu.vector_store %arg11[%swap3A_577, %swap3A_578], %mul3A_576 {strides = array<i32>} : memref<65x65xf32, #tpu.memory_space<vmem>>, vector<8x8xf32>,
      %slice3A_580 = vector.extract_strided_slice %get3A_15 {offsets = [0, 167], sizes = [8, 1], strides = [1, 1]} : vector<8x176xf32> to vector<8x1xf32>
      %swap3A_581 = arith.constant 56 : index
      %swap3A_582 = arith.constant 64 : index
      %swap3A_583 = vector.load %arg11[%swap3A_581, %swap3A_582] : memref<65x65xf32, #tpu.memory_space<vmem>>, vector<8x1xf32>
      tpu.vector_store %arg11[%swap3A_581, %swap3A_582], %slice3A_580 {strides = array<i32>} : memref<65x65xf32, #tpu.memory_space<vmem>>, vector<8x1xf32>,
      %iota3A_584 = tpu.iota {dimensions = array<i32: 1>} : vector<1x65xi32>
      %eq3A_585 = arith.constant 64 : i32
      %eq3A_586 = vector.broadcast %eq3A_585 : i32 to vector<1x65xi32>
      %eq3A_587 = arith.cmpi eq, %iota3A_584, %eq3A_586 : vector<1x65xi32>
      %convert_element_type3A_588 = arith.extui %eq3A_587 : vector<1x65xi1> to vector<1x65xi32>
      %convert_element_type3A_589 = arith.sitofp %convert_element_type3A_588 : vector<1x65xi32> to vector<1x65xf32>
      %swap3A_590 = arith.constant 64 : index
      %swap3A_591 = arith.constant 0 : index
      %swap3A_592 = vector.load %arg11[%swap3A_590, %swap3A_591] : memref<65x65xf32, #tpu.memory_space<vmem>>, vector<1x65xf32>
      tpu.vector_store %arg11[%swap3A_590, %swap3A_591], %convert_element_type3A_589 {strides = array<i32>} : memref<65x65xf32, #tpu.memory_space<vmem>>, vector<1x65xf32>,
      %slice3A_593 = vector.extract_strided_slice %get3A_15 {offsets = [0, 144], sizes = [8, 1], strides = [1, 1]} : vector<8x176xf32> to vector<8x1xf32>
      %mul3A_594 = vector.broadcast %slice3A_593 : vector<8x1xf32> to vector<8x8xf32>
      %mul3A_595 = arith.mulf %mul3A_594, %convert_element_type3A_26 : vector<8x8xf32>
      %swap3A_596 = arith.constant 0 : index
      %swap3A_597 = arith.constant 0 : index
      %swap3A_598 = vector.load %arg12[%swap3A_596, %swap3A_597] : memref<8x65xf32, #tpu.memory_space<vmem>>, vector<8x8xf32>
      tpu.vector_store %arg12[%swap3A_596, %swap3A_597], %mul3A_595 {strides = array<i32>} : memref<8x65xf32, #tpu.memory_space<vmem>>, vector<8x8xf32>,
      %slice3A_599 = vector.extract_strided_slice %get3A_15 {offsets = [0, 145], sizes = [8, 1], strides = [1, 1]} : vector<8x176xf32> to vector<8x1xf32>
      %mul3A_600 = vector.broadcast %slice3A_599 : vector<8x1xf32> to vector<8x8xf32>
      %mul3A_601 = arith.mulf %mul3A_600, %convert_element_type3A_26 : vector<8x8xf32>
      %swap3A_602 = arith.constant 0 : index
      %swap3A_603 = arith.constant 8 : index
      %swap3A_604 = vector.load %arg12[%swap3A_602, %swap3A_603] : memref<8x65xf32, #tpu.memory_space<vmem>>, vector<8x8xf32>
      tpu.vector_store %arg12[%swap3A_602, %swap3A_603], %mul3A_601 {strides = array<i32>} : memref<8x65xf32, #tpu.memory_space<vmem>>, vector<8x8xf32>,
      %slice3A_605 = vector.extract_strided_slice %get3A_15 {offsets = [0, 146], sizes = [8, 1], strides = [1, 1]} : vector<8x176xf32> to vector<8x1xf32>
      %mul3A_606 = vector.broadcast %slice3A_605 : vector<8x1xf32> to vector<8x8xf32>
      %mul3A_607 = arith.mulf %mul3A_606, %convert_element_type3A_26 : vector<8x8xf32>
      %swap3A_608 = arith.constant 0 : index
      %swap3A_609 = arith.constant 16 : index
      %swap3A_610 = vector.load %arg12[%swap3A_608, %swap3A_609] : memref<8x65xf32, #tpu.memory_space<vmem>>, vector<8x8xf32>
      tpu.vector_store %arg12[%swap3A_608, %swap3A_609], %mul3A_607 {strides = array<i32>} : memref<8x65xf32, #tpu.memory_space<vmem>>, vector<8x8xf32>,
      %slice3A_611 = vector.extract_strided_slice %get3A_15 {offsets = [0, 147], sizes = [8, 1], strides = [1, 1]} : vector<8x176xf32> to vector<8x1xf32>
      %mul3A_612 = vector.broadcast %slice3A_611 : vector<8x1xf32> to vector<8x8xf32>
      %mul3A_613 = arith.mulf %mul3A_612, %convert_element_type3A_26 : vector<8x8xf32>
      %swap3A_614 = arith.constant 0 : index
      %swap3A_615 = arith.constant 24 : index
      %swap3A_616 = vector.load %arg12[%swap3A_614, %swap3A_615] : memref<8x65xf32, #tpu.memory_space<vmem>>, vector<8x8xf32>
      tpu.vector_store %arg12[%swap3A_614, %swap3A_615], %mul3A_613 {strides = array<i32>} : memref<8x65xf32, #tpu.memory_space<vmem>>, vector<8x8xf32>,
      %slice3A_617 = vector.extract_strided_slice %get3A_15 {offsets = [0, 148], sizes = [8, 1], strides = [1, 1]} : vector<8x176xf32> to vector<8x1xf32>
      %mul3A_618 = vector.broadcast %slice3A_617 : vector<8x1xf32> to vector<8x8xf32>
      %mul3A_619 = arith.mulf %mul3A_618, %convert_element_type3A_26 : vector<8x8xf32>
      %swap3A_620 = arith.constant 0 : index
      %swap3A_621 = arith.constant 32 : index
      %swap3A_622 = vector.load %arg12[%swap3A_620, %swap3A_621] : memref<8x65xf32, #tpu.memory_space<vmem>>, vector<8x8xf32>
      tpu.vector_store %arg12[%swap3A_620, %swap3A_621], %mul3A_619 {strides = array<i32>} : memref<8x65xf32, #tpu.memory_space<vmem>>, vector<8x8xf32>,
      %slice3A_623 = vector.extract_strided_slice %get3A_15 {offsets = [0, 149], sizes = [8, 1], strides = [1, 1]} : vector<8x176xf32> to vector<8x1xf32>
      %mul3A_624 = vector.broadcast %slice3A_623 : vector<8x1xf32> to vector<8x8xf32>
      %mul3A_625 = arith.mulf %mul3A_624, %convert_element_type3A_26 : vector<8x8xf32>
      %swap3A_626 = arith.constant 0 : index
      %swap3A_627 = arith.constant 40 : index
      %swap3A_628 = vector.load %arg12[%swap3A_626, %swap3A_627] : memref<8x65xf32, #tpu.memory_space<vmem>>, vector<8x8xf32>
      tpu.vector_store %arg12[%swap3A_626, %swap3A_627], %mul3A_625 {strides = array<i32>} : memref<8x65xf32, #tpu.memory_space<vmem>>, vector<8x8xf32>,
      %slice3A_629 = vector.extract_strided_slice %get3A_15 {offsets = [0, 150], sizes = [8, 1], strides = [1, 1]} : vector<8x176xf32> to vector<8x1xf32>
      %mul3A_630 = vector.broadcast %slice3A_629 : vector<8x1xf32> to vector<8x8xf32>
      %mul3A_631 = arith.mulf %mul3A_630, %convert_element_type3A_26 : vector<8x8xf32>
      %swap3A_632 = arith.constant 0 : index
      %swap3A_633 = arith.constant 48 : index
      %swap3A_634 = vector.load %arg12[%swap3A_632, %swap3A_633] : memref<8x65xf32, #tpu.memory_space<vmem>>, vector<8x8xf32>
      tpu.vector_store %arg12[%swap3A_632, %swap3A_633], %mul3A_631 {strides = array<i32>} : memref<8x65xf32, #tpu.memory_space<vmem>>, vector<8x8xf32>,
      %slice3A_635 = vector.extract_strided_slice %get3A_15 {offsets = [0, 151], sizes = [8, 1], strides = [1, 1]} : vector<8x176xf32> to vector<8x1xf32>
      %mul3A_636 = vector.broadcast %slice3A_635 : vector<8x1xf32> to vector<8x8xf32>
      %mul3A_637 = arith.mulf %mul3A_636, %convert_element_type3A_26 : vector<8x8xf32>
      %swap3A_638 = arith.constant 0 : index
      %swap3A_639 = arith.constant 56 : index
      %swap3A_640 = vector.load %arg12[%swap3A_638, %swap3A_639] : memref<8x65xf32, #tpu.memory_space<vmem>>, vector<8x8xf32>
      tpu.vector_store %arg12[%swap3A_638, %swap3A_639], %mul3A_637 {strides = array<i32>} : memref<8x65xf32, #tpu.memory_space<vmem>>, vector<8x8xf32>,
      %gt3A = arith.constant 5.000000e-01 : f32
      %gt3A_641 = vector.broadcast %gt3A : f32 to vector<8x1xf32>
      %gt3A_642 = arith.cmpf ogt, %slice3A_22, %gt3A_641 : vector<8x1xf32>
      %slice3A_643 = vector.extract_strided_slice %get3A_15 {offsets = [0, 168], sizes = [8, 1], strides = [1, 1]} : vector<8x176xf32> to vector<8x1xf32>
      %jit3A = arith.constant -1.000000e+09 : f32
      %broadcast_in_dim3A = vector.broadcast %jit3A : f32 to vector<8x1xf32>
      %select_n3A = arith.select %gt3A_642, %slice3A_643, %broadcast_in_dim3A : vector<8x1xi1>, vector<8x1xf32>
      %swap3A_644 = arith.constant 0 : index
      %swap3A_645 = arith.constant 64 : index
      %swap3A_646 = vector.load %arg12[%swap3A_644, %swap3A_645] : memref<8x65xf32, #tpu.memory_space<vmem>>, vector<8x1xf32>
      tpu.vector_store %arg12[%swap3A_644, %swap3A_645], %select_n3A {strides = array<i32>} : memref<8x65xf32, #tpu.memory_space<vmem>>, vector<8x1xf32>,
      %get3A_647 = arith.constant 0 : index
      %get3A_648 = arith.constant 0 : index
      %get3A_649 = arith.constant 0 : index
      %get3A_650 = vector.load %arg4[%get3A_647, %get3A_648, %get3A_649] : memref<1x11x16384xf32, #tpu.memory_space<vmem>>, vector<1x11x16384xf32>
      %get3A_651 = vector.shape_cast %get3A_650 : vector<1x11x16384xf32> to vector<11x16384xf32>
      %get3A_652 = arith.constant 0 : index
      %get3A_653 = arith.constant 0 : index
      %get3A_654 = vector.load %arg10[%get3A_652, %get3A_653] : memref<65x11xf32, #tpu.memory_space<vmem>>, vector<65x11xf32>
      %dot_general3A = arith.constant dense<0.000000e+00> : vector<65x16384xf32>
      %dot_general3A_655 = tpu.matmul %get3A_654, %get3A_651, %dot_general3A {dimension_numbers = #tpu.dot_dimension_numbers<[1], [0], [0], [1], [0, 0, 1, 1], [], []>, transpose_lhs_hint = false} : vector<65x11xf32>, vector<11x16384xf32>, vector<65x16384xf32> -> vector<65x16384xf32>
      %max3A = arith.constant 0.000000e+00 : f32
      %max3A_656 = vector.broadcast %max3A : f32 to vector<65x16384xf32>
      %max3A_657 = arith.maximumf %dot_general3A_655, %max3A_656 : vector<65x16384xf32>
      %get3A_658 = arith.constant 0 : index
      %get3A_659 = arith.constant 0 : index
      %get3A_660 = vector.load %arg11[%get3A_658, %get3A_659] : memref<65x65xf32, #tpu.memory_space<vmem>>, vector<65x65xf32>
      %dot_general3A_661 = arith.constant dense<0.000000e+00> : vector<65x16384xf32>
      %dot_general3A_662 = tpu.matmul %get3A_660, %max3A_657, %dot_general3A_661 {dimension_numbers = #tpu.dot_dimension_numbers<[1], [0], [0], [1], [0, 0, 1, 1], [], []>, transpose_lhs_hint = false} : vector<65x65xf32>, vector<65x16384xf32>, vector<65x16384xf32> -> vector<65x16384xf32>
      %max3A_663 = arith.constant 0.000000e+00 : f32
      %max3A_664 = vector.broadcast %max3A_663 : f32 to vector<65x16384xf32>
      %max3A_665 = arith.maximumf %dot_general3A_662, %max3A_664 : vector<65x16384xf32>
      %get3A_666 = arith.constant 0 : index
      %get3A_667 = arith.constant 0 : index
      %get3A_668 = vector.load %arg12[%get3A_666, %get3A_667] : memref<8x65xf32, #tpu.memory_space<vmem>>, vector<8x65xf32>
      %dot_general3A_669 = arith.constant dense<0.000000e+00> : vector<8x16384xf32>
      %dot_general3A_670 = tpu.matmul %get3A_668, %max3A_665, %dot_general3A_669 {dimension_numbers = #tpu.dot_dimension_numbers<[1], [0], [0], [1], [0, 0, 1, 1], [], []>, transpose_lhs_hint = false} : vector<8x65xf32>, vector<65x16384xf32>, vector<8x16384xf32> -> vector<8x16384xf32>
      %mul3A_671 = arith.constant 5.000000e-01 : f32
      %mul3A_672 = vector.broadcast %mul3A_671 : f32 to vector<8x16384xf32>
      %mul3A_673 = arith.mulf %mul3A_672, %dot_general3A_670 : vector<8x16384xf32>
      %tanh3A = math.tanh %mul3A_673 : vector<8x16384xf32>
      %mul3A_674 = arith.constant 5.000000e-01 : f32
      %mul3A_675 = vector.broadcast %mul3A_674 : f32 to vector<8x16384xf32>
      %mul3A_676 = arith.mulf %mul3A_675, %tanh3A : vector<8x16384xf32>
      %add3A_677 = arith.constant 5.000000e-01 : f32
      %add3A_678 = vector.broadcast %add3A_677 : f32 to vector<8x16384xf32>
      %add3A_679 = arith.addf %mul3A_676, %add3A_678 : vector<8x16384xf32>
      %get3A_680 = arith.constant 0 : index
      %get3A_681 = arith.constant 0 : index
      %get3A_682 = arith.constant 0 : index
      %get3A_683 = vector.load %arg5[%get3A_680, %get3A_681, %get3A_682] : memref<1x8x16384xf32, #tpu.memory_space<vmem>>, vector<1x8x16384xf32>
      %get3A_684 = vector.shape_cast %get3A_683 : vector<1x8x16384xf32> to vector<8x16384xf32>
      %slice3A_685 = vector.extract_strided_slice %get3A_668 {offsets = [0, 64], sizes = [8, 1], strides = [1, 1]} : vector<8x65xf32> to vector<8x1xf32>
      %gt3A_686 = arith.constant -1.000000e+08 : f32
      %gt3A_687 = vector.broadcast %gt3A_686 : f32 to vector<8x1xf32>
      %gt3A_688 = arith.cmpf ogt, %slice3A_685, %gt3A_687 : vector<8x1xf32>
      %convert_element_type3A_689 = arith.extui %gt3A_688 : vector<8x1xi1> to vector<8x1xi32>
      %convert_element_type3A_690 = arith.sitofp %convert_element_type3A_689 : vector<8x1xi32> to vector<8x1xf32>
      %get3A_691 = arith.constant 0 : index
      %get3A_692 = arith.constant 0 : index
      %get3A_693 = vector.load %arg9[%get3A_691, %get3A_692] : memref<24x16384xf32, #tpu.memory_space<vmem>>, vector<8x16384xf32>
      %mul3A_694 = arith.mulf %add3A_679, %get3A_684 : vector<8x16384xf32>
      %add3A_695 = arith.addf %get3A_693, %mul3A_694 : vector<8x16384xf32>
      %swap3A_696 = arith.constant 0 : index
      %swap3A_697 = arith.constant 0 : index
      %swap3A_698 = vector.load %arg9[%swap3A_696, %swap3A_697] : memref<24x16384xf32, #tpu.memory_space<vmem>>, vector<8x16384xf32>
      tpu.vector_store %arg9[%swap3A_696, %swap3A_697], %add3A_695 {strides = array<i32>} : memref<24x16384xf32, #tpu.memory_space<vmem>>, vector<8x16384xf32>,
      %get3A_699 = arith.constant 8 : index
      %get3A_700 = arith.constant 0 : index
      %get3A_701 = vector.load %arg9[%get3A_699, %get3A_700] : memref<24x16384xf32, #tpu.memory_space<vmem>>, vector<8x16384xf32>
      %mul3A_702 = arith.mulf %add3A_679, %add3A_679 : vector<8x16384xf32>
      %add3A_703 = arith.addf %get3A_701, %mul3A_702 : vector<8x16384xf32>
      %swap3A_704 = arith.constant 8 : index
      %swap3A_705 = arith.constant 0 : index
      %swap3A_706 = vector.load %arg9[%swap3A_704, %swap3A_705] : memref<24x16384xf32, #tpu.memory_space<vmem>>, vector<8x16384xf32>
      tpu.vector_store %arg9[%swap3A_704, %swap3A_705], %add3A_703 {strides = array<i32>} : memref<24x16384xf32, #tpu.memory_space<vmem>>, vector<8x16384xf32>,
      %get3A_707 = arith.constant 16 : index
      %get3A_708 = arith.constant 0 : index
      %get3A_709 = vector.load %arg9[%get3A_707, %get3A_708] : memref<24x16384xf32, #tpu.memory_space<vmem>>, vector<8x16384xf32>
      %mul3A_710 = vector.broadcast %convert_element_type3A_690 : vector<8x1xf32> to vector<8x16384xf32>
      %mul3A_711 = arith.mulf %get3A_684, %mul3A_710 : vector<8x16384xf32>
      %mul3A_712 = arith.mulf %mul3A_711, %get3A_684 : vector<8x16384xf32>
      %add3A_713 = arith.addf %get3A_709, %mul3A_712 : vector<8x16384xf32>
      %swap3A_714 = arith.constant 16 : index
      %swap3A_715 = arith.constant 0 : index
      %swap3A_716 = vector.load %arg9[%swap3A_714, %swap3A_715] : memref<24x16384xf32, #tpu.memory_space<vmem>>, vector<8x16384xf32>
      tpu.vector_store %arg9[%swap3A_714, %swap3A_715], %add3A_713 {strides = array<i32>} : memref<24x16384xf32, #tpu.memory_space<vmem>>, vector<8x16384xf32>,
    } else {
    }
    %eq3A_6 = arith.constant 31 : i32
    %eq3A_7 = arith.cmpi eq, %arg0, %eq3A_6 : i32
    %convert_element_type3A_8 = arith.extui %eq3A_7 : i1 to i32
    %cond3A_9 = arith.constant 0 : i32
    %cond3A_10 = arith.cmpi ne, %convert_element_type3A_8, %cond3A_9 : i32
    scf.if %cond3A_10 {
      %get3A_11 = arith.constant 0 : index
      %get3A_12 = arith.constant 0 : index
      %get3A_13 = vector.load %arg9[%get3A_11, %get3A_12] : memref<24x16384xf32, #tpu.memory_space<vmem>>, vector<8x16384xf32>
      %reduce_sum3A = vector.shape_cast %get3A_13 : vector<8x16384xf32> to vector<1x8x16384xf32>
      %reduce_sum3A_14 = arith.constant dense<0.000000e+00> : vector<1xf32>
      %reduce_sum3A_15 = vector.multi_reduction <add>, %reduce_sum3A, %reduce_sum3A_14 [1, 2] : vector<1x8x16384xf32> to vector<1xf32>
      %reduce_sum3A_16 = vector.shape_cast %reduce_sum3A_15 : vector<1xf32> to vector<1x1x1xf32>
      %reduce_sum3A_17 = vector.extract %reduce_sum3A_16[0, 0, 0] : f32 from vector<1x1x1xf32>
      %get3A_18 = arith.constant 8 : index
      %get3A_19 = arith.constant 0 : index
      %get3A_20 = vector.load %arg9[%get3A_18, %get3A_19] : memref<24x16384xf32, #tpu.memory_space<vmem>>, vector<8x16384xf32>
      %reduce_sum3A_21 = vector.shape_cast %get3A_20 : vector<8x16384xf32> to vector<1x8x16384xf32>
      %reduce_sum3A_22 = arith.constant dense<0.000000e+00> : vector<1xf32>
      %reduce_sum3A_23 = vector.multi_reduction <add>, %reduce_sum3A_21, %reduce_sum3A_22 [1, 2] : vector<1x8x16384xf32> to vector<1xf32>
      %reduce_sum3A_24 = vector.shape_cast %reduce_sum3A_23 : vector<1xf32> to vector<1x1x1xf32>
      %reduce_sum3A_25 = vector.extract %reduce_sum3A_24[0, 0, 0] : f32 from vector<1x1x1xf32>
      %get3A_26 = arith.constant 16 : index
      %get3A_27 = arith.constant 0 : index
      %get3A_28 = vector.load %arg9[%get3A_26, %get3A_27] : memref<24x16384xf32, #tpu.memory_space<vmem>>, vector<8x16384xf32>
      %reduce_sum3A_29 = vector.shape_cast %get3A_28 : vector<8x16384xf32> to vector<1x8x16384xf32>
      %reduce_sum3A_30 = arith.constant dense<0.000000e+00> : vector<1xf32>
      %reduce_sum3A_31 = vector.multi_reduction <add>, %reduce_sum3A_29, %reduce_sum3A_30 [1, 2] : vector<1x8x16384xf32> to vector<1xf32>
      %reduce_sum3A_32 = vector.shape_cast %reduce_sum3A_31 : vector<1xf32> to vector<1x1x1xf32>
      %reduce_sum3A_33 = vector.extract %reduce_sum3A_32[0, 0, 0] : f32 from vector<1x1x1xf32>
      %mul3A = arith.constant 2.000000e+00 : f32
      %mul3A_34 = arith.mulf %mul3A, %reduce_sum3A_17 : f32
      %add3A = arith.constant 1.000000e+00 : f32
      %add3A_35 = arith.addf %mul3A_34, %add3A : f32
      %add3A_36 = arith.addf %reduce_sum3A_25, %reduce_sum3A_33 : f32
      %add3A_37 = arith.constant 1.000000e+00 : f32
      %add3A_38 = arith.addf %add3A_36, %add3A_37 : f32
      %div3A = arith.divf %add3A_35, %add3A_38 : f32
      %sub3A = arith.constant 1.000000e+00 : f32
      %sub3A_39 = arith.subf %sub3A, %div3A : f32
      %mul3A_40 = arith.constant 2.500000e-01 : f32
      %mul3A_41 = arith.mulf %sub3A_39, %mul3A_40 : f32
      %broadcast_in_dim3A = vector.broadcast %mul3A_41 : f32 to vector<1x128xf32>
      %swap3A = arith.constant 0 : index
      %swap3A_42 = arith.constant 0 : index
      %swap3A_43 = vector.load %arg8[%swap3A, %swap3A_42] : memref<1x128xf32, #tpu.memory_space<vmem>>, vector<1x128xf32>
      tpu.vector_store %arg8[%swap3A, %swap3A_42], %broadcast_in_dim3A {strides = array<i32>} : memref<1x128xf32, #tpu.memory_space<vmem>>, vector<1x128xf32>,
    } else {
    }
    return
  }
  func.func @transform_0(%arg0: i32, %arg1: memref<32xi32, #tpu.memory_space<smem>>, %arg2: memref<32xi32, #tpu.memory_space<smem>>, %arg3: memref<1xi32, #tpu.memory_space<smem>>) -> (i32, i32, i32) {
    %get3A = arith.index_cast %arg0 : i32 to index
    %get3A_0 = memref.load %arg2[%get3A] : memref<32xi32, #tpu.memory_space<smem>>
    %c0_i32 = arith.constant 0 : i32
    %c0_i32_1 = arith.constant 0 : i32
    %c0_i32_2 = arith.constant 0 : i32
    return %get3A_0, %c0_i32, %c0_i32_1 : i32, i32, i32
  }
  func.func @transform_1(%arg0: i32, %arg1: memref<32xi32, #tpu.memory_space<smem>>, %arg2: memref<32xi32, #tpu.memory_space<smem>>, %arg3: memref<1xi32, #tpu.memory_space<smem>>) -> (i32, i32, i32) {
    %get3A = arith.index_cast %arg0 : i32 to index
    %get3A_0 = memref.load %arg1[%get3A] : memref<32xi32, #tpu.memory_space<smem>>
    %c0_i32 = arith.constant 0 : i32
    %c0_i32_1 = arith.constant 0 : i32
    %c0_i32_2 = arith.constant 0 : i32
    return %get3A_0, %c0_i32, %c0_i32_1 : i32, i32, i32
  }
  func.func @transform_2(%arg0: i32, %arg1: memref<32xi32, #tpu.memory_space<smem>>, %arg2: memref<32xi32, #tpu.memory_space<smem>>, %arg3: memref<1xi32, #tpu.memory_space<smem>>) -> (i32, i32, i32) {
    %get3A = arith.index_cast %arg0 : i32 to index
    %get3A_0 = memref.load %arg1[%get3A] : memref<32xi32, #tpu.memory_space<smem>>
    %c0_i32 = arith.constant 0 : i32
    %c0_i32_1 = arith.constant 0 : i32
    %c0_i32_2 = arith.constant 0 : i32
    return %get3A_0, %c0_i32, %c0_i32_1 : i32, i32, i32
  }
  func.func @transform_3(%arg0: i32, %arg1: memref<32xi32, #tpu.memory_space<smem>>, %arg2: memref<32xi32, #tpu.memory_space<smem>>, %arg3: memref<1xi32, #tpu.memory_space<smem>>) -> (i32, i32, i32) {
    %get3A = arith.index_cast %arg0 : i32 to index
    %get3A_0 = memref.load %arg1[%get3A] : memref<32xi32, #tpu.memory_space<smem>>
    %c0_i32 = arith.constant 0 : i32
    %c0_i32_1 = arith.constant 0 : i32
    %c0_i32_2 = arith.constant 0 : i32
    return %get3A_0, %c0_i32, %c0_i32_1 : i32, i32, i32
  }
  func.func @transform_4(%arg0: i32, %arg1: memref<32xi32, #tpu.memory_space<smem>>, %arg2: memref<32xi32, #tpu.memory_space<smem>>, %arg3: memref<1xi32, #tpu.memory_space<smem>>) -> (i32, i32) {
    %c0_i32 = arith.constant 0 : i32
    %c0_i32_0 = arith.constant 0 : i32
    %c0_i32_1 = arith.constant 0 : i32
    return %c0_i32, %c0_i32_0 : i32, i32
  }
}

</mosaic_0001>

<sc_bundles>
// kernel: kernel.4.cloned.1.call-start
scs
__scs_entry_jumppad:
0x0: {  	(pc) =	sbr.rel $0x88, $3  }
0x1: {  	(tag) =	ssettag $0x0;
	lr =	simm.s32 $0x1  }
0x2: {  	[smem:$0x3F9C] =	sst lr;
	_ =	strace $0xD0000000  }
0x3: {  	_ = 	snop  }
0x4: {  	_ = 	snop  }
0x5: {  	_ = 	snop  }
0x6: {  	_ = 	snop  }
0x7: {  	_ = 	snop  }
__scs_overlays_trampoline_lowered:
0x8: {  	[smem:$0x3FAB] =	sst s0  }
0x9: {  	[smem:$0x3FAC] =	sst s1  }
0xa: {  	[smem:$0x3FAD] =	sst s2  }
0xb: {  	[smem:$0x3FAE] =	sst s3  }
0xc: {  	[smem:$0x3FAF] =	sst s4  }
0xd: {  	[smem:$0x3FB0] =	sst s5  }
0xe: {  	[smem:$0x3FB1] =	sst s6  }
0xf: {  	[smem:$0x3FB2] =	sst s7  }
0x10: {  	[smem:$0x3FB3] =	sst s8  }
0x11: {  	[smem:$0x3FB4] =	sst s9;
	s0 =	simm.s32 @!p0 $0x0  }
0x12: {  	s1 =	sld [smem:$0x3F9A];
	s0 =	simm.s32 @p0 $0x1  }
0x13: {  	[smem:$0x3FB5] =	sst s0;
	s0 =	simm.s32 @!p1 $0x0  }
0x14: {  	s2 =	sld [smem:$0x3F99];
	s0 =	simm.s32 @p1 $0x1  }
0x15: {  	[smem:$0x3FB6] =	sst s0;
	s0 =	simm.s32 @!p2 $0x0  }
0x16: {  	s3 =	sld [smem:$0x3FDB];
	s0 =	simm.s32 @p2 $0x1  }
0x17: {  	s4 =	simm.s32 $0x1BF5;
	[smem:$0x3FB8] =	sst s0  }
0x18: {  	s0 =	sld [smem:$0x3F9B];
	_ =	swait.ge [sflag:s4], $0x0  }
0x19: {  	s7 =	sld [smem:$0x3F9C]  }
0x1a: {  	s8 =	sadd.s32 $0xFFFFE003, lr  }
0x1b: {  	s9 =	sadd.s32 $0xFFFFFEF7, lr;
	s5 =	simm.s32 $0xFFFFFFFF;
	p2 =	slt.u32 s8, $0xFFFFF086  }
0x1c: {  	p1 =	slt.u32 s9, $0xF7A;
	s5 =	simm.s32 @!p2 $0x0  }
0x1d: {  	s5 =	simm.s32 @p1 $0x1;
	p0 =	seq.s32 s7, s2  }
0x1e: {  	s7 =	smul.u32 @!p0 $0xF7A, s2;
	p2 =	seq.s32 @!p0 s5, $0x0  }
0x1f: {  	s9 =	smul.u32 $0xF7A, s1;
	s8 =	simm.s32 @!p0 $0x1BF5;
	p2 =	por !p2, p0  }
0x20: {  	[sflag:s8] =	ssyncset.s32 @!p0 $0xFFFFF086;
	s6 =	sadd.s32 @!p0 s3, s7;
	s7 =	simm.s32 @!p0 $0x108  }
0x21: {  	s3 =	sadd.s32 s3, s9;
	s6 =	sadd.s32 @!p0 $0x88, s6;
	s7 =	simm.s32 @p2 $0x1082  }
0x22: {  	[simem:s7], [sflag:s8] =	dma.local @!p0 [hbm:s6], $0xF7A  }
0x23: {  	s9 =	sor.u32 $0xD0000000, s2;
	s6 =	simm.s32 $0x108;
	_ =	swait.ge @!p0 [sflag:s8], $0x0  }
0x24: {  	s3 =	sadd.s32 $0x88, s3;
	s6 =	simm.s32 @!p1 $0x1082;
	[sflag:s4] =	ssyncset.s32 $0xFFFFF086  }
0x25: {  	[simem:s6], [sflag:s4] =	dma.local [hbm:s3], $0xF7A  }
0x26: {  	[smem:$0x3F9C] =	sst s1;
	(tag) =	ssettag s2;
	_ =	strace s9  }
0x27: {  	s1 =	sld [smem:$0x3FAC]  }
0x28: {  	s2 =	sld [smem:$0x3FAD]  }
0x29: {  	s4 =	sld [smem:$0x3FAF]  }
0x2a: {  	p0 =	seq.s32 s5, $0x0;
	s5 =	sld [smem:$0x3FB0]  }
0x2b: {  	s6 =	sld [smem:$0x3FB1]  }
0x2c: {  	s7 =	sld [smem:$0x3FB2]  }
0x2d: {  	s3 =	simm.s32 $0x108;
	s8 =	sld [smem:$0x3FB3]  }
0x2e: {  	s3 =	simm.s32 @!p0 $0x1082;
	s9 =	sld [smem:$0x3FB4]  }
0x2f: {  	lr =	sadd.s32 s0, s3;
	s0 =	sld [smem:$0x3FAB]  }
0x30: {  	s3 =	sld [smem:$0x3FAE]  }
0x31: {  	[smem:$0x3FB7] =	sst s10  }
0x32: {  	s10 =	sld [smem:$0x3FB5];
	_ =	sdelay $0x3  }
0x33: {  	p0 =	seq.s32 s10, $0x1;
	s10 =	sld [smem:$0x3FB7];
	_ =	sdelay $0x3  }
0x34: {  	[smem:$0x3FB7] =	sst s10  }
0x35: {  	s10 =	sld [smem:$0x3FB6];
	_ =	sdelay $0x3  }
0x36: {  	p1 =	seq.s32 s10, $0x1;
	s10 =	sld [smem:$0x3FB7];
	_ =	sdelay $0x3  }
0x37: {  	[smem:$0x3FB7] =	sst s10  }
0x38: {  	s10 =	sld [smem:$0x3FB8]  }
0x39: {  	_ = 	snop;
	(pc) =	sbr.ind lr, $3  }
0x3a: {  	_ = 	snop  }
0x3b: {  	_ = 	snop  }
0x3c: {  	p2 =	seq.s32 s10, $0x1;
	s10 =	sld [smem:$0x3FB7]  }
0x3d: {  	_ =	shalt  }
0x3e: {  	_ =	shalt  }
0x3f: {  	_ =	shalt  }
0x40: {  	_ =	shalt  }
0x41: {  	_ =	shalt  }
0x42: {  	_ =	shalt  }
0x43: {  	_ =	shalt  }
0x44: {  	_ =	shalt  }
0x45: {  	_ =	shalt  }
0x46: {  	_ =	shalt  }
0x47: {  	_ =	shalt  }
0x48: {  	_ =	shalt  }
0x49: {  	_ =	shalt  }
0x4a: {  	_ =	shalt  }
0x4b: {  	_ =	shalt  }
0x4c: {  	_ =	shalt  }
0x4d: {  	_ =	shalt  }
0x4e: {  	_ =	shalt  }
0x4f: {  	_ =	shalt  }
0x50: {  	_ =	shalt  }
0x51: {  	_ =	shalt  }
0x52: {  	_ =	shalt  }
0x53: {  	_ =	shalt  }
0x54: {  	_ =	shalt  }
0x55: {  	_ =	shalt  }
0x56: {  	_ =	shalt  }
0x57: {  	_ =	shalt  }
0x58: {  	_ =	shalt  }
0x59: {  	_ =	shalt  }
0x5a: {  	_ =	shalt  }
0x5b: {  	_ =	shalt  }
0x5c: {  	_ =	shalt  }
0x5d: {  	_ =	shalt  }
0x5e: {  	_ =	shalt  }
0x5f: {  	_ =	shalt  }
0x60: {  	_ =	shalt  }
0x61: {  	_ =	shalt  }
0x62: {  	_ =	shalt  }
0x63: {  	_ =	shalt  }
0x64: {  	_ =	shalt  }
0x65: {  	_ =	shalt  }
0x66: {  	_ =	shalt  }
0x67: {  	_ =	shalt  }
0x68: {  	_ =	shalt  }
0x69: {  	_ =	shalt  }
0x6a: {  	_ =	shalt  }
0x6b: {  	_ =	shalt  }
0x6c: {  	_ =	shalt  }
0x6d: {  	_ =	shalt  }
0x6e: {  	_ =	shalt  }
0x6f: {  	_ =	shalt  }
0x70: {  	_ =	shalt  }
0x71: {  	_ =	shalt  }
0x72: {  	_ =	shalt  }
0x73: {  	_ =	shalt  }
0x74: {  	_ =	shalt  }
0x75: {  	_ =	shalt  }
0x76: {  	_ =	shalt  }
0x77: {  	_ =	shalt  }
0x78: {  	_ =	shalt  }
0x79: {  	_ =	shalt  }
0x7a: {  	_ =	shalt  }
0x7b: {  	_ =	shalt  }
0x7c: {  	_ =	shalt  }
0x7d: {  	_ =	shalt  }
0x7e: {  	_ =	shalt  }
0x7f: {  	_ =	shalt  }
0x80: {  	_ =	shalt  }
0x81: {  	_ =	shalt  }
0x82: {  	_ =	shalt  }
0x83: {  	_ =	shalt  }
0x84: {  	_ =	shalt  }
0x85: {  	_ =	shalt  }
0x86: {  	_ =	shalt  }
0x87: {  	_ =	shalt  }
.Lfunc_end0:
.L_simem_size_0:
called_computation_lowered:
.L_overlay_start_0:
0x88: {  	s2 =	sld [smem:$0x3FD9]  }
0x89: {  	s3 =	sld [smem:$0x3FFE];
	_ =	sdelay $0x1  }
0x8a: {  	s1 =	srdreg.scid  }
0x8b: {  	s0 =	sand.u32 $0x1, s1  }
0x8c: {  	s17 =	sshll.u32 s0, $0xA;
	s2 =	sadd.s32 s3, s2  }
0x8d: {  	s2 =	sadd.s32 s2, s17  }
0x8e: {  	[smem:$0x3FC3] =	sst s2  }
0x8f: {  	_ = 	snop  }
0x90: {  	s2 =	sld [smem:$0x3FC8];
	(tm) =	ssettm $0x1  }
0x91: {  	s18 =	sld [smem:$0x3FFB];
	_ =	sdelay $0x3  }
0x92: {  	_ =	strace s18  }
0x93: {  	s3 =	sld [smem:$0x3FFC];
	_ =	sdelay $0x3  }
0x94: {  	_ =	strace s3  }
0x95: {  	s3 =	sld [smem:$0x3FFD];
	_ =	sdelay $0x3  }
0x96: {  	_ =	strace s3  }
0x97: {  	_ =	strace $0x8FFFFFFF  }
0x98: {  	s19 =	sld [smem:$0x3FDB];
	_ =	sdelay $0x1  }
0x99: {  	s4 =	simm.s32 $_scs_section_size  }
0x9a: {  	s5 =	simm.s32 $_size__tile_overlayer_lowered;
	s6 =	simm.s32 $_tile_overlayer_lowered  }
0x9b: {  	s22 =	simm.s32 $0x1BFF;
	s21 =	sshll.u32 s6, $0x1;
	s3 =	sadd.s32 s4, s19  }
0x9c: {  	s7 =	simm.s32 $0x0;
	s20 =	sshll.u32 s5, $0x1;
	s5 =	sadd.s32 s21, s3  }
0x9d: {  	[timem:s7], [sflag:s22] =	dma.local [hbm:s5], s20  }
0x9e: {  	_ =	swait.ge [sflag:s22], s20  }
0x9f: {  	s4 =	ssub.s32 $0x0, s20;
	[sflag:s22] =	ssyncset.done $0x0  }
0xa0: {  	[sflag:s22] =	ssyncadd.s32 s4;
	_ =	sdelay $0x1  }
0xa1: {  	s23 =	simm.s32 $0x1B8B  }
0xa2: {  	_ =	swait.ge [sflag:s23], $0x1  }
0xa3: {  	[sflag:s23] =	ssyncset.done $0x0  }
0xa4: {  	s25 =	simm.s32 $0x1B8E;
	s24 =	sld [smem:$0x3FFE];
	[sflag:s23] =	ssyncadd.s32 $0xFFFFFFFF  }
0xa5: {  	s26 =	simm.s32 $execute0_lowered;
	[smem:$0x3FD2] =	sst s25  }
0xa6: {  	s5 =	sshll.u32 s26, $0x1;
	_ =	strace $0x80000046;
	[dreg:$0x1] =	wrdreg $0xFFFFFFFF  }
0xa7: {  	s28 =	simm.s32 $_size_execute0_lowered;
	s3 =	sadd.s32 s3, s5;
	[dreg:$0x0] =	wrdreg $0x0  }
0xa8: {  	s5 =	sshll.u32 s28, $0x1;
	[dreg:$0x2] =	wrdreg s3  }
0xa9: {  	[dreg:$0x3] =	wrdreg s5  }
0xaa: {  	[dreg:$0x4] =	wrdreg $0xC0  }
0xab: {  	_ =	task [dreg:s7], $0x5FFFF  }
0xac: {  	[dreg:$0x1] =	wrdreg $0xFFFFFFFF  }
0xad: {  	[dreg:$0x0] =	wrdreg $0x60  }
0xae: {  	[dreg:$0x2] =	wrdreg s2  }
0xaf: {  	[dreg:$0x3] =	wrdreg s24  }
0xb0: {  	[dreg:$0x4] =	wrdreg $0x9  }
0xb1: {  	_ =	task.clear_ibuf [dreg:s7], $0x5FFFF;
	_ =	strace $0x90000046  }
0xb2: {  	s29 =	simm.s32 $0x9;
	_ =	strace $0x80000048  }
0xb3: {  	_ =	swait.ge [sflag:s29], $0x1  }
0xb4: {  	[sflag:s29] =	ssyncadd.s32 $0xFFFFFFFF  }
0xb5: {  	_ =	strace $0x90000048  }
0xb6: {  	_ =	sfence  }
0xb7: {  	s30 =	sld [smem:$0x0];
	_ =	sdelay $0x2  }
0xb8: {  	s31 =	sshll.u32 s1, $0xD;
	s1 =	sshrl.u32 s1, $0x2  }
0xb9: {  	s3 =	sand.u32 $0x4000, s31;
	s1 =	sadd.s32 s1, s30  }
0xba: {  	s0 =	sor.u32 s3, s0;
	s1 =	sshll.u32 s1, $0x11  }
0xbb: {  	s0 =	sor.u32 s1, s0  }
0xbc: {  	s0 =	sadd.s32 $0x8F2B, s0  }
0xbd: {  	[sflag:s0] =	ssyncadd.remote.s32 $0x1  }
0xbe: {  	_ =	sfence.sel $0xFFFF  }
0xbf: {  	[dreg:$0x0] =	wrdreg $0xFFFFFFFF;
	(pc) =	sbr.abs _section_cstart, $3  }
0xc0: {  	[dreg:$0x1] =	wrdreg $0xFFFFFFFF  }
0xc1: {  	_ =	task.clear_ibuf [dreg:s7], $0x2FFFF;
	_ =	strace $0x9FFFFFFF  }
0xc2: {  	(tm) =	ssettm $0x7FFFFFFF  }
0xc3: {  	_ =	shalt  }
tec
execute0_lowered:
.L_overlay_start_1:
0x0: {  	(tag) =	ssettag $0x1  }
0x1: {  	s1 =	srdreg.scid;
	s0 =	stileid.u32  }
0x2: {  	s2 =	rddreg [dreg:$0x0];
	s29 =	sand.u32 $0x1, s1;
	s31 =	sshll.u32 s0, $0x1  }
0x3: {  	s4 =	rddreg [dreg:$0x1];
	s5 =	sor.u32 s29, s31  }
0x4: {  	s3 =	simm.s32 $0x0;
	s1 =	rddreg [dreg:$0x2];
	s5 =	smul.u32 $0xB0, s5  }
0x5: {  	[smem:$0x7FF] =	sst s3  }
0x6: {  	_ =	strace $0x80000047;
	s5 =	sadd.s32 s4, s5;
	s4 =	simm.s32 $0x2  }
0x7: {  	[tilespmem:s3], [sflag:$0x2] =	stream.linear.gather [hbm4b:s5+s3], $0x580, $0x38;
	[tilespmem:$0xB00] =	vst v63  }
0x8: {  	_ =	swait.ge [sflag:s4], $0x580  }
0x9: {  	[sflag:s4] =	ssyncset.done $0x0  }
0xa: {  	s6 =	simm.s32 $0x80;
	s7 =	simm.s32 $0x580;
	[sflag:s4] =	ssyncadd.s32 $0xFFFFFA80  }
0xb: {  	[tilespmem:s7], [sflag:$0x1] =	stream.indirect.gather [hbm4b:s2+s6], $0x1, s3, s6, $0xb8;
	[tilespmem:$0xB00] =	vst v63  }
0xc: {  	s8 =	simm.s32 $0x600  }
0xd: {  	[tilespmem:s8], [sflag:$0x1] =	stream.indirect.gather [hbm4b:s2+s6], $0x1, s6, s6, $0xb8;
	[tilespmem:$0xB00] =	vst v63  }
0xe: {  	s9 =	simm.s32 $0x100;
	s10 =	simm.s32 $0x680  }
0xf: {  	[tilespmem:s10], [sflag:$0x1] =	stream.indirect.gather [hbm4b:s2+s6], $0x1, s9, s6, $0xb8;
	[tilespmem:$0xB00] =	vst v63  }
0x10: {  	s11 =	simm.s32 $0x180;
	s12 =	simm.s32 $0x700  }
0x11: {  	[tilespmem:s12], [sflag:$0x1] =	stream.indirect.gather [hbm4b:s2+s6], $0x1, s11, s6, $0xb8;
	[tilespmem:$0xB00] =	vst v63  }
0x12: {  	s13 =	simm.s32 $0x200;
	s14 =	simm.s32 $0x780  }
0x13: {  	[tilespmem:s14], [sflag:$0x1] =	stream.indirect.gather [hbm4b:s2+s6], $0x1, s13, s6, $0xb8;
	[tilespmem:$0xB00] =	vst v63  }
0x14: {  	s15 =	simm.s32 $0x280;
	s16 =	simm.s32 $0x800  }
0x15: {  	[tilespmem:s16], [sflag:$0x1] =	stream.indirect.gather [hbm4b:s2+s6], $0x1, s15, s6, $0xb8;
	[tilespmem:$0xB00] =	vst v63  }
0x16: {  	s17 =	simm.s32 $0x300;
	s18 =	simm.s32 $0x880  }
0x17: {  	[tilespmem:s18], [sflag:$0x1] =	stream.indirect.gather [hbm4b:s2+s6], $0x1, s17, s6, $0xb8;
	[tilespmem:$0xB00] =	vst v63  }
0x18: {  	s19 =	simm.s32 $0x380;
	s20 =	simm.s32 $0x900  }
0x19: {  	[tilespmem:s20], [sflag:$0x1] =	stream.indirect.gather [hbm4b:s2+s6], $0x1, s19, s6, $0xb8;
	[tilespmem:$0xB00] =	vst v63  }
0x1a: {  	s21 =	simm.s32 $0x400;
	s22 =	simm.s32 $0x980  }
0x1b: {  	[tilespmem:s22], [sflag:$0x1] =	stream.indirect.gather [hbm4b:s2+s6], $0x1, s21, s6, $0xb8;
	[tilespmem:$0xB00] =	vst v63  }
0x1c: {  	s23 =	simm.s32 $0x480;
	s24 =	simm.s32 $0xA00  }
0x1d: {  	[tilespmem:s24], [sflag:$0x1] =	stream.indirect.gather [hbm4b:s2+s6], $0x1, s23, s6, $0xb8;
	[tilespmem:$0xB00] =	vst v63  }
0x1e: {  	s25 =	simm.s32 $0x500;
	s26 =	simm.s32 $0xA80;
	s28 =	simm.s32 $0x1  }
0x1f: {  	[tilespmem:s26], [sflag:$0x1] =	stream.indirect.gather [hbm4b:s2+s6], $0x1, s25, s6, $0xb8;
	[tilespmem:$0xB00] =	vst v63  }
0x20: {  	_ =	swait.ge [sflag:s28], $0x80  }
0x21: {  	[sflag:s28] =	ssyncset.done $0x0  }
0x22: {  	[sflag:s28] =	ssyncadd.s32 $0xFFFFFF80  }
0x23: {  	_ =	swait.ge [sflag:s28], $0x80  }
0x24: {  	[sflag:s28] =	ssyncset.done $0x0  }
0x25: {  	[sflag:s28] =	ssyncadd.s32 $0xFFFFFF80  }
0x26: {  	_ =	swait.ge [sflag:s28], $0x80  }
0x27: {  	[sflag:s28] =	ssyncset.done $0x0  }
0x28: {  	[sflag:s28] =	ssyncadd.s32 $0xFFFFFF80  }
0x29: {  	_ =	swait.ge [sflag:s28], $0x80  }
0x2a: {  	[sflag:s28] =	ssyncset.done $0x0  }
0x2b: {  	[sflag:s28] =	ssyncadd.s32 $0xFFFFFF80  }
0x2c: {  	_ =	swait.ge [sflag:s28], $0x80  }
0x2d: {  	[sflag:s28] =	ssyncset.done $0x0  }
0x2e: {  	[sflag:s28] =	ssyncadd.s32 $0xFFFFFF80  }
0x2f: {  	_ =	swait.ge [sflag:s28], $0x80  }
0x30: {  	[sflag:s28] =	ssyncset.done $0x0  }
0x31: {  	[sflag:s28] =	ssyncadd.s32 $0xFFFFFF80  }
0x32: {  	_ =	swait.ge [sflag:s28], $0x80  }
0x33: {  	[sflag:s28] =	ssyncset.done $0x0  }
0x34: {  	[sflag:s28] =	ssyncadd.s32 $0xFFFFFF80  }
0x35: {  	_ =	swait.ge [sflag:s28], $0x80  }
0x36: {  	[sflag:s28] =	ssyncset.done $0x0  }
0x37: {  	[sflag:s28] =	ssyncadd.s32 $0xFFFFFF80  }
0x38: {  	_ =	swait.ge [sflag:s28], $0x80  }
0x39: {  	[sflag:s28] =	ssyncset.done $0x0  }
0x3a: {  	s29 =	ssub.s32 $0x2, s29;
	[sflag:s28] =	ssyncadd.s32 $0xFFFFFF80  }
0x3b: {  	s30 =	sshrl.u32 s29, $0x1;
	_ =	swait.ge [sflag:s28], $0x80  }
0x3c: {  	s29 =	ssub.s32 s29, s30;
	[sflag:s28] =	ssyncset.done $0x0  }
0x3d: {  	s30 =	smax.u32 s29, $0x1;
	[sflag:s28] =	ssyncadd.s32 $0xFFFFFF80  }
0x3e: {  	p0 =	sne.s32 s30, $0x1;
	_ =	swait.ge [sflag:s28], $0x80  }
.Ltmp0:
0x3f: {  	[sflag:s28] =	ssyncset.done $0x0;
	(pc) =	sbr.rel @!p0 .LBB2_2-.Ltmp0, $4  }
0x40: {  	s29 =	sadd.s32 $0x1600, s5;
	[sflag:s28] =	ssyncadd.s32 $0xFFFFFF80  }
0x41: {  	[hbm4b:s29+s3] =	stream.linear.scatter [tilespmem:s7], [sflag:$0x2], $0x580, $0x38;
	[tilespmem:$0xB00] =	vst v63  }
0x42: {  	_ =	swait.ge [sflag:s4], $0x580  }
0x43: {  	s30 =	sadd.s32 $0xFFFFFFFF, s30;
	[sflag:s4] =	ssyncset.done $0x0  }
.LBB2_1:
0x44: {  	p0 =	sne.s32 s30, $0x1;
	s30 =	sadd.s32 $0xFFFFFFFF, s30;
	[sflag:s4] =	ssyncadd.s32 $0xFFFFFA80  }
0x45: {  	[tilespmem:s3], [sflag:$0x2] =	stream.linear.gather [hbm4b:s5+s3], $0x580, $0x38;
	[tilespmem:$0xB00] =	vst v63  }
0x46: {  	_ =	swait.ge [sflag:s4], $0x580  }
0x47: {  	[sflag:s4] =	ssyncset.done $0x0  }
0x48: {  	[sflag:s4] =	ssyncadd.s32 $0xFFFFFA80  }
0x49: {  	[tilespmem:s7], [sflag:$0x1] =	stream.indirect.gather [hbm4b:s2+s6], $0x1, s3, s6, $0xb8;
	[tilespmem:$0xB00] =	vst v63  }
0x4a: {  	_ = 	snop  }
0x4b: {  	[tilespmem:s8], [sflag:$0x1] =	stream.indirect.gather [hbm4b:s2+s6], $0x1, s6, s6, $0xb8;
	[tilespmem:$0xB00] =	vst v63  }
0x4c: {  	_ = 	snop  }
0x4d: {  	[tilespmem:s10], [sflag:$0x1] =	stream.indirect.gather [hbm4b:s2+s6], $0x1, s9, s6, $0xb8;
	[tilespmem:$0xB00] =	vst v63  }
0x4e: {  	_ = 	snop  }
0x4f: {  	[tilespmem:s12], [sflag:$0x1] =	stream.indirect.gather [hbm4b:s2+s6], $0x1, s11, s6, $0xb8;
	[tilespmem:$0xB00] =	vst v63  }
0x50: {  	_ = 	snop  }
0x51: {  	[tilespmem:s14], [sflag:$0x1] =	stream.indirect.gather [hbm4b:s2+s6], $0x1, s13, s6, $0xb8;
	[tilespmem:$0xB00] =	vst v63  }
0x52: {  	_ = 	snop  }
0x53: {  	[tilespmem:s16], [sflag:$0x1] =	stream.indirect.gather [hbm4b:s2+s6], $0x1, s15, s6, $0xb8;
	[tilespmem:$0xB00] =	vst v63  }
0x54: {  	_ = 	snop  }
0x55: {  	[tilespmem:s18], [sflag:$0x1] =	stream.indirect.gather [hbm4b:s2+s6], $0x1, s17, s6, $0xb8;
	[tilespmem:$0xB00] =	vst v63  }
0x56: {  	_ = 	snop  }
0x57: {  	[tilespmem:s20], [sflag:$0x1] =	stream.indirect.gather [hbm4b:s2+s6], $0x1, s19, s6, $0xb8;
	[tilespmem:$0xB00] =	vst v63  }
0x58: {  	_ = 	snop  }
0x59: {  	[tilespmem:s22], [sflag:$0x1] =	stream.indirect.gather [hbm4b:s2+s6], $0x1, s21, s6, $0xb8;
	[tilespmem:$0xB00] =	vst v63  }
0x5a: {  	_ = 	snop  }
0x5b: {  	[tilespmem:s24], [sflag:$0x1] =	stream.indirect.gather [hbm4b:s2+s6], $0x1, s23, s6, $0xb8;
	[tilespmem:$0xB00] =	vst v63  }
0x5c: {  	_ = 	snop  }
0x5d: {  	[tilespmem:s26], [sflag:$0x1] =	stream.indirect.gather [hbm4b:s2+s6], $0x1, s25, s6, $0xb8;
	[tilespmem:$0xB00] =	vst v63  }
0x5e: {  	_ =	swait.ge [sflag:s28], $0x80  }
0x5f: {  	[sflag:s28] =	ssyncset.done $0x0  }
0x60: {  	[sflag:s28] =	ssyncadd.s32 $0xFFFFFF80  }
0x61: {  	_ =	swait.ge [sflag:s28], $0x80  }
0x62: {  	[sflag:s28] =	ssyncset.done $0x0  }
0x63: {  	[sflag:s28] =	ssyncadd.s32 $0xFFFFFF80  }
0x64: {  	_ =	swait.ge [sflag:s28], $0x80  }
0x65: {  	[sflag:s28] =	ssyncset.done $0x0  }
0x66: {  	[sflag:s28] =	ssyncadd.s32 $0xFFFFFF80  }
0x67: {  	_ =	swait.ge [sflag:s28], $0x80  }
0x68: {  	[sflag:s28] =	ssyncset.done $0x0  }
0x69: {  	[sflag:s28] =	ssyncadd.s32 $0xFFFFFF80  }
0x6a: {  	_ =	swait.ge [sflag:s28], $0x80  }
0x6b: {  	[sflag:s28] =	ssyncset.done $0x0  }
0x6c: {  	[sflag:s28] =	ssyncadd.s32 $0xFFFFFF80  }
0x6d: {  	_ =	swait.ge [sflag:s28], $0x80  }
0x6e: {  	[sflag:s28] =	ssyncset.done $0x0  }
0x6f: {  	[sflag:s28] =	ssyncadd.s32 $0xFFFFFF80  }
0x70: {  	_ =	swait.ge [sflag:s28], $0x80  }
0x71: {  	[sflag:s28] =	ssyncset.done $0x0  }
0x72: {  	[sflag:s28] =	ssyncadd.s32 $0xFFFFFF80  }
0x73: {  	_ =	swait.ge [sflag:s28], $0x80  }
0x74: {  	[sflag:s28] =	ssyncset.done $0x0  }
0x75: {  	[sflag:s28] =	ssyncadd.s32 $0xFFFFFF80  }
0x76: {  	_ =	swait.ge [sflag:s28], $0x80  }
0x77: {  	[sflag:s28] =	ssyncset.done $0x0  }
0x78: {  	[sflag:s28] =	ssyncadd.s32 $0xFFFFFF80  }
0x79: {  	_ =	swait.ge [sflag:s28], $0x80  }
0x7a: {  	[sflag:s28] =	ssyncset.done $0x0  }
0x7b: {  	[sflag:s28] =	ssyncadd.s32 $0xFFFFFF80  }
0x7c: {  	_ =	swait.ge [sflag:s28], $0x80  }
.Ltmp1:
0x7d: {  	[sflag:s28] =	ssyncset.done $0x0;
	(pc) =	sbr.rel @p0 .LBB2_1-.Ltmp1, $4  }
0x7e: {  	[sflag:s28] =	ssyncadd.s32 $0xFFFFFF80  }
0x7f: {  	[hbm4b:s29+s3] =	stream.linear.scatter [tilespmem:s7], [sflag:$0x2], $0x580, $0x38;
	[tilespmem:$0xB00] =	vst v63  }
0x80: {  	_ =	swait.ge [sflag:s4], $0x580  }
0x81: {  	[sflag:s4] =	ssyncset.done $0x0  }
.LBB2_2:
0x82: {  	[sflag:s4] =	ssyncadd.s32 $0xFFFFFA80  }
0x83: {  	_ =	sfence.sel $0x180000  }
0x84: {  	[bflag:$0x0] =	sbarrier.arrive $0xFFFF  }
0x85: {  	p0 =	sne.s32 s0, $0x0;
	_ =	strace $0x90000047  }
0x86: {  	s0 =	sadd.s32 @!p0 $0x100000, s1;
	[bflag:$0x2] =	sbarrier.arrive $0xFFFF  }
0x87: {  	[sflag:s0] =	ssyncadd.tile.s32 @!p0 $0x1;
	_ =	shalt  }
.Lfunc_end2:
_tile_overlayer_lowered:
.L_overlay_start_2:
0x88: {  	(tag) =	ssettag $0x2  }
0x89: {  	s0 =	rddreg [dreg:$0x0];
	s2 =	stileid.u32  }
0x8a: {  	s1 =	rddreg [dreg:$0x1];
	p0 =	sne.s32 s2, $0x0  }
0x8b: {  	s3 =	rddreg [dreg:$0x2];
	[bflag:$0x3] =	sbarrier.arrive $0xFFFF;
	s2 =	simm.s32 @!p0 $0x1C02  }
0x8c: {  	[timem:s3], [sflag:s2] =	dma.local @!p0 [hbm:s0], s1  }
0x8d: {  	s0 =	simm.s32 @!p0 $0x2  }
0x8e: {  	_ =	swait.ge @!p0 [sflag:s0], s1  }
0x8f: {  	s1 =	ssub.s32 @!p0 $0x0, s1;
	[sflag:s0] =	ssyncset.done @!p0 $0x0  }
0x90: {  	[sflag:s0] =	ssyncadd.s32 @!p0 s1  }
0x91: {  	[bflag:$0x3] =	sbarrier.arrive $0xFFFF  }
0x92: {  	_ =	shalt  }

</sc_bundles>
